<compile_context>
chip_gen: v7x
topology: tpu7x:2x2x1
jax: 0.10.2.dev20260603
libtpu: 0.0.44.dev20260713+nightly
codegen_flags: <defaults>
</compile_context>

<pallas_src>
import functools

import jax
import jax.numpy as jnp
from jax import lax
from jax.experimental import pallas as pl
from jax.experimental.pallas import tpu as pltpu
from jax.experimental.pallas import tpu_sc as plsc

VOCAB = 100000
HIDDEN = 1024
MAX_POS = 4096
BATCH = 4
SEQ = 4096
EPS = 1e-12

NC = 2
NS = 16
L = 16
NW = NC * NS
P_PER_W = SEQ // NW
K = 16
N_CHUNKS = P_PER_W // K
NB = N_CHUNKS * BATCH
NV = HIDDEN // L
R = 4
NBUF = 4


def _lane_sum(v):
    idx = lax.iota(jnp.int32, L)
    dnums = lax.GatherDimensionNumbers(
        offset_dims=(), collapsed_slice_dims=(0,), start_index_map=(0,))
    for d in (1, 2, 4, 8):
        perm = lax.gather(
            v, (idx ^ d)[:, None], dnums, slice_sizes=(1,),
            mode=lax.GatherScatterMode.PROMISE_IN_BOUNDS)
        v = v + perm
    return v


def _rsqrt(x):
    yi = lax.bitcast_convert_type(x, jnp.int32)
    yi = 0x5F3759DF - lax.shift_right_logical(yi, 1)
    r = lax.bitcast_convert_type(yi, jnp.float32)
    half_x = 0.5 * x
    for _ in range(3):
        r = r * (1.5 - half_x * r * r)
    return r


def _ln_quad(rows, posb, gbuf, bbuf, base, pbase, inv_n, q, _carry):
    r0 = base + q * R
    p0 = pbase + q * R
    zero = jnp.zeros((L,), jnp.float32)

    @plsc.parallel_loop(0, NV, carry=(zero,) * (2 * R), unroll=4)
    def acc(j, carry):
        carry = list(carry)
        for i in range(R):
            e = rows[r0 + i, pl.ds(j * L, L)] + posb[p0 + i, pl.ds(j * L, L)]
            carry[i] = carry[i] + e
            carry[R + i] = carry[R + i] + e * e
        return tuple(carry)

    mean = [None] * R
    rst = [None] * R
    for i in range(R):
        m = _lane_sum(acc[i]) * inv_n
        var = _lane_sum(acc[R + i]) * inv_n - m * m
        mean[i] = m
        rst[i] = _rsqrt(var + EPS)

    @plsc.parallel_loop(0, NV, unroll=4)
    def _norm(j):
        g = gbuf[pl.ds(j * L, L)]
        bb = bbuf[pl.ds(j * L, L)]
        for i in range(R):
            rg = rst[i] * g
            t = bb - mean[i] * rg
            e = rows[r0 + i, pl.ds(j * L, L)] + posb[p0 + i, pl.ds(j * L, L)]
            rows[r0 + i, pl.ds(j * L, L)] = e * rg + t

    return 0


def _body(ids_hbm, wt_hbm, pt_hbm, g_hbm, b_hbm, out_hbm,
          idxb, rows, posb, gbuf, bbuf, gsem, ssem, psem):
    wid = lax.axis_index("s") * NC + lax.axis_index("c")
    seq_base = wid * P_PER_W
    inv_n = jnp.float32(1.0 / HIDDEN)

    pltpu.sync_copy(g_hbm, gbuf)
    pltpu.sync_copy(b_hbm, bbuf)

    def pos_base(t):
        return seq_base + (t // BATCH) * K

    def tok_base(t):
        return (t % BATCH) * SEQ + pos_base(t)

    def gather(x):
        buf = x % NBUF
        idx = idxb.at[pl.ds((x % BATCH) * P_PER_W + (x // BATCH) * K, K)]
        pltpu.async_copy(
            wt_hbm.at[idx], rows.at[pl.ds(buf * K, K)], gsem.at[buf])

    for b in range(BATCH):
        pltpu.sync_copy(
            ids_hbm.at[pl.ds(b * SEQ + seq_base, P_PER_W)],
            idxb.at[pl.ds(b * P_PER_W, P_PER_W)])
    pltpu.async_copy(
        pt_hbm.at[pl.ds(seq_base, K)], posb.at[pl.ds(0, K)], psem.at[0])
    pltpu.async_copy(
        pt_hbm.at[pl.ds(seq_base + K, K)], posb.at[pl.ds(K, K)], psem.at[1])
    gather(0)
    gather(1)

    def block(t, _):
        buf = t % NBUF

        @pl.when(t < NB - 2)
        def _():
            gather(t + 2)

        with jax.named_scope("gwait"):
            pltpu.make_async_copy(
                pt_hbm.at[pl.ds(0, K)], rows.at[pl.ds(buf * K, K)],
                gsem.at[buf]).wait()

        pchunk = (t // BATCH) & 1

        with jax.named_scope("pwait"):
            @pl.when(t % BATCH == 0)
            def _():
                pltpu.make_async_copy(
                    pt_hbm.at[pl.ds(0, K)], posb.at[pl.ds(pchunk * K, K)],
                    psem.at[pchunk]).wait()

        with jax.named_scope("ln"):
            @plsc.parallel_loop(0, K // R)
            def _quads(q):
                _ln_quad(rows, posb, gbuf, bbuf,
                         buf * K, pchunk * K, inv_n, q, 0)

        pltpu.async_copy(
            rows.at[pl.ds(buf * K, K)],
            out_hbm.at[pl.ds(tok_base(t), K)], ssem.at[buf])

        with jax.named_scope("swait"):
            @pl.when(t >= 1)
            def _():
                pbuf = (t - 1) % NBUF
                pltpu.make_async_copy(
                    out_hbm.at[pl.ds(0, K)], rows.at[pl.ds(pbuf * K, K)],
                    ssem.at[pbuf]).wait()

        @pl.when(jnp.logical_and((t + 1) % BATCH == 0, t + 1 < NB))
        def _():
            c1 = (t + 1) // BATCH + 1

            @pl.when(c1 < N_CHUNKS)
            def _():
                pltpu.async_copy(
                    pt_hbm.at[pl.ds(seq_base + c1 * K, K)],
                    posb.at[pl.ds((c1 & 1) * K, K)], psem.at[c1 & 1])

        return 0

    lax.fori_loop(0, NB, block, 0)
    pltpu.make_async_copy(
        out_hbm.at[pl.ds(0, K)],
        rows.at[pl.ds(((NB - 1) % NBUF) * K, K)],
        ssem.at[(NB - 1) % NBUF]).wait()


@jax.jit
def _run(ids_flat, word_table, pos_table, gamma, beta):
    mesh = plsc.VectorSubcoreMesh(
        core_axis_name="c", subcore_axis_name="s",
        num_cores=NC, num_subcores=NS)
    f = pl.kernel(
        _body,
        out_type=jax.ShapeDtypeStruct((BATCH * SEQ, HIDDEN), jnp.float32),
        mesh=mesh,
        scratch_types=[
            pltpu.VMEM((BATCH * P_PER_W,), jnp.int32),
            pltpu.VMEM((NBUF * K, HIDDEN), jnp.float32),
            pltpu.VMEM((2 * K, HIDDEN), jnp.float32),
            pltpu.VMEM((HIDDEN,), jnp.float32),
            pltpu.VMEM((HIDDEN,), jnp.float32),
            pltpu.SemaphoreType.DMA((NBUF,)),
            pltpu.SemaphoreType.DMA((NBUF,)),
            pltpu.SemaphoreType.DMA((2,)),
        ],
    )
    return f(ids_flat, word_table, pos_table, gamma, beta)


def kernel(input_ids, word_table, pos_table, gamma, beta):
    ids_flat = input_ids.reshape(-1).astype(jnp.int32)
    out = _run(ids_flat, word_table, pos_table, gamma, beta)
    return out.reshape(BATCH, SEQ, HIDDEN)

# --- scband reference (transcript-rebuilt; emitter-appended) ---
"""Pipeline reference for scband-bert-generation-embeddings-40596030882055 (READ-ONLY COPY).

The authoritative reference and input builder live on the scoring server;
editing this copy changes nothing except your own understanding.
"""

import jax, jax.numpy as jnp
import numpy as np

VOCAB = 100000
HIDDEN = 1024
MAX_POS = 4096
BATCH = 4
SEQ = 4096
EPS = 1e-12

def setup_inputs(seed: int = 0) -> dict:
    key = jax.random.key(seed)
    k1, k2, k3 = jax.random.split(key, 3)
    input_ids = jax.random.randint(k1, (BATCH, SEQ), 0, VOCAB)
    word_table = jax.random.normal(k2, (VOCAB, HIDDEN), dtype=jnp.float32) * 0.02
    pos_table = jax.random.normal(k3, (MAX_POS, HIDDEN), dtype=jnp.float32) * 0.02
    gamma = jnp.ones((HIDDEN,), dtype=jnp.float32)
    beta = jnp.zeros((HIDDEN,), dtype=jnp.float32)
    return {"input_ids": input_ids, "word_table": word_table, "pos_table": pos_table, "gamma": gamma, "beta": beta}

def reference(input_ids, word_table, pos_table, gamma, beta):
    seq_length = input_ids.shape[1]
    # word embedding lookup (gather)
    inputs_embeds = jnp.take(word_table, input_ids, axis=0)
    # position ids: default path, past_key_values_length=0
    position_ids = jnp.arange(seq_length)[None, :]
    position_embeddings = jnp.take(pos_table, position_ids, axis=0)
    embeddings = inputs_embeds + position_embeddings
    # LayerNorm (eps from config)
    mean = jnp.mean(embeddings, axis=-1, keepdims=True)
    var = jnp.var(embeddings, axis=-1, keepdims=True)
    normed = (embeddings - mean) / jnp.sqrt(var + EPS)
    out = normed * gamma + beta
    # dropout is identity in eval mode
    return out

if __name__ == "__main__":
    import jax
    _d = setup_inputs()
    print(jax.jit(kernel)(*tuple(_d.values())))

</pallas_src>

<mosaic_0001>
#map = affine_map<(d0, d1) -> (0)>
#map1 = affine_map<(d0, d1) -> (0, 0)>
module attributes {stable_mosaic.version = 14 : i64} {
  func.func @_body(%arg0: i32, %arg1: i32, %arg2: memref<16384xi32, #tpu.memory_space<hbm>>, %arg3: memref<100000x1024xf32, #tpu.memory_space<hbm>>, %arg4: memref<4096x1024xf32, #tpu.memory_space<hbm>>, %arg5: memref<1024xf32, #tpu.memory_space<hbm>>, %arg6: memref<1024xf32, #tpu.memory_space<hbm>>, %arg7: memref<16384x1024xf32, #tpu.memory_space<hbm>>, %arg8: memref<512xi32, #tpu.memory_space<vmem>>, %arg9: memref<64x1024xf32, #tpu.memory_space<vmem>>, %arg10: memref<32x1024xf32, #tpu.memory_space<vmem>>, %arg11: memref<1024xf32, #tpu.memory_space<vmem>>, %arg12: memref<1024xf32, #tpu.memory_space<vmem>>, %arg13: memref<4x!tpu.dma_semaphore, #tpu.memory_space<semaphore_mem>>, %arg14: memref<4x!tpu.dma_semaphore, #tpu.memory_space<semaphore_mem>>, %arg15: memref<2x!tpu.dma_semaphore, #tpu.memory_space<semaphore_mem>>) attributes {dimension_semantics = [#tpu.dimension_semantics<core_parallel>, #tpu.dimension_semantics<subcore_parallel>], iteration_bounds = array<i64: 2, 16>, scalar_prefetch = 0 : i64, scratch_operands = 8 : i64, tpu.core_type = #tpu.core_type<sc_vector_subcore>, window_params = [{transform_indices = #map}, {transform_indices = #map1}, {transform_indices = #map1}, {transform_indices = #map}, {transform_indices = #map}, {transform_indices = #map1}]} {
    %mul3A = arith.constant 2 : i32
    %mul3A_0 = arith.muli %arg1, %mul3A : i32
    %add3A = arith.addi %mul3A_0, %arg0 : i32
    %mul3A_1 = arith.constant 128 : i32
    %mul3A_2 = arith.muli %add3A, %mul3A_1 : i32
    "tpu.region"() ({
      %run_scoped3A = tpu.sem_alloc : memref<!tpu.dma_semaphore, #tpu.memory_space<semaphore_mem>>
      tpu.enqueue_dma source(%arg5 : memref<1024xf32, #tpu.memory_space<hbm>>) target(%arg11 : memref<1024xf32, #tpu.memory_space<vmem>>) target_semaphore(%run_scoped3A : memref<!tpu.dma_semaphore, #tpu.memory_space<semaphore_mem>>)
      tpu.wait_dma2 semaphore(%run_scoped3A : memref<!tpu.dma_semaphore, #tpu.memory_space<semaphore_mem>>) src(%arg5 : memref<1024xf32, #tpu.memory_space<hbm>>) dst(%arg11 : memref<1024xf32, #tpu.memory_space<vmem>>)
      tpu.yield
    }) : () -> ()
    "tpu.region"() ({
      %run_scoped3A = tpu.sem_alloc : memref<!tpu.dma_semaphore, #tpu.memory_space<semaphore_mem>>
      tpu.enqueue_dma source(%arg6 : memref<1024xf32, #tpu.memory_space<hbm>>) target(%arg12 : memref<1024xf32, #tpu.memory_space<vmem>>) target_semaphore(%run_scoped3A : memref<!tpu.dma_semaphore, #tpu.memory_space<semaphore_mem>>)
      tpu.wait_dma2 semaphore(%run_scoped3A : memref<!tpu.dma_semaphore, #tpu.memory_space<semaphore_mem>>) src(%arg6 : memref<1024xf32, #tpu.memory_space<hbm>>) dst(%arg12 : memref<1024xf32, #tpu.memory_space<vmem>>)
      tpu.yield
    }) : () -> ()
    %add3A_3 = arith.constant 0 : i32
    %add3A_4 = arith.addi %add3A_3, %mul3A_2 : i32
    "tpu.region"() ({
      %run_scoped3A = tpu.sem_alloc : memref<!tpu.dma_semaphore, #tpu.memory_space<semaphore_mem>>
      %dma_start3A_81 = arith.constant 0 : i32
      %dma_start3A_82 = tpu.memref_slice %arg8[%dma_start3A_81] : memref<512xi32, #tpu.memory_space<vmem>> -> memref<128xi32, #tpu.memory_space<vmem>>
      %dma_start3A_83 = tpu.memref_slice %arg2[%add3A_4] : memref<16384xi32, #tpu.memory_space<hbm>> -> memref<128xi32, #tpu.memory_space<hbm>>
      %dma_start3A_84 = arith.constant 0 : i32
      %dma_start3A_85 = tpu.memref_slice %arg8[%dma_start3A_84] : memref<512xi32, #tpu.memory_space<vmem>> -> memref<128xi32, #tpu.memory_space<vmem>>
      %dma_start3A_86 = tpu.memref_slice %arg2[%add3A_4] : memref<16384xi32, #tpu.memory_space<hbm>> -> memref<128xi32, #tpu.memory_space<hbm>>
      tpu.enqueue_dma source(%dma_start3A_86 : memref<128xi32, #tpu.memory_space<hbm>>) target(%dma_start3A_85 : memref<128xi32, #tpu.memory_space<vmem>>) target_semaphore(%run_scoped3A : memref<!tpu.dma_semaphore, #tpu.memory_space<semaphore_mem>>)
      %dma_wait3A_87 = arith.constant 0 : i32
      %dma_wait3A_88 = tpu.memref_slice %arg8[%dma_wait3A_87] : memref<512xi32, #tpu.memory_space<vmem>> -> memref<128xi32, #tpu.memory_space<vmem>>
      %dma_wait3A_89 = tpu.memref_slice %arg2[%add3A_4] : memref<16384xi32, #tpu.memory_space<hbm>> -> memref<128xi32, #tpu.memory_space<hbm>>
      %dma_wait3A_90 = arith.constant 0 : i32
      %dma_wait3A_91 = tpu.memref_slice %arg8[%dma_wait3A_90] : memref<512xi32, #tpu.memory_space<vmem>> -> memref<128xi32, #tpu.memory_space<vmem>>
      %dma_wait3A_92 = tpu.memref_slice %arg2[%add3A_4] : memref<16384xi32, #tpu.memory_space<hbm>> -> memref<128xi32, #tpu.memory_space<hbm>>
      tpu.wait_dma2 semaphore(%run_scoped3A : memref<!tpu.dma_semaphore, #tpu.memory_space<semaphore_mem>>) src(%dma_wait3A_92 : memref<128xi32, #tpu.memory_space<hbm>>) dst(%dma_wait3A_91 : memref<128xi32, #tpu.memory_space<vmem>>)
      tpu.yield
    }) : () -> ()
    %add3A_5 = arith.constant 4096 : i32
    %add3A_6 = arith.addi %add3A_5, %mul3A_2 : i32
    "tpu.region"() ({
      %run_scoped3A = tpu.sem_alloc : memref<!tpu.dma_semaphore, #tpu.memory_space<semaphore_mem>>
      %dma_start3A_81 = arith.constant 128 : i32
      %dma_start3A_82 = tpu.memref_slice %arg8[%dma_start3A_81] : memref<512xi32, #tpu.memory_space<vmem>> -> memref<128xi32, #tpu.memory_space<vmem>>
      %dma_start3A_83 = tpu.memref_slice %arg2[%add3A_6] : memref<16384xi32, #tpu.memory_space<hbm>> -> memref<128xi32, #tpu.memory_space<hbm>>
      %dma_start3A_84 = arith.constant 128 : i32
      %dma_start3A_85 = tpu.memref_slice %arg8[%dma_start3A_84] : memref<512xi32, #tpu.memory_space<vmem>> -> memref<128xi32, #tpu.memory_space<vmem>>
      %dma_start3A_86 = tpu.memref_slice %arg2[%add3A_6] : memref<16384xi32, #tpu.memory_space<hbm>> -> memref<128xi32, #tpu.memory_space<hbm>>
      tpu.enqueue_dma source(%dma_start3A_86 : memref<128xi32, #tpu.memory_space<hbm>>) target(%dma_start3A_85 : memref<128xi32, #tpu.memory_space<vmem>>) target_semaphore(%run_scoped3A : memref<!tpu.dma_semaphore, #tpu.memory_space<semaphore_mem>>)
      %dma_wait3A_87 = arith.constant 128 : i32
      %dma_wait3A_88 = tpu.memref_slice %arg8[%dma_wait3A_87] : memref<512xi32, #tpu.memory_space<vmem>> -> memref<128xi32, #tpu.memory_space<vmem>>
      %dma_wait3A_89 = tpu.memref_slice %arg2[%add3A_6] : memref<16384xi32, #tpu.memory_space<hbm>> -> memref<128xi32, #tpu.memory_space<hbm>>
      %dma_wait3A_90 = arith.constant 128 : i32
      %dma_wait3A_91 = tpu.memref_slice %arg8[%dma_wait3A_90] : memref<512xi32, #tpu.memory_space<vmem>> -> memref<128xi32, #tpu.memory_space<vmem>>
      %dma_wait3A_92 = tpu.memref_slice %arg2[%add3A_6] : memref<16384xi32, #tpu.memory_space<hbm>> -> memref<128xi32, #tpu.memory_space<hbm>>
      tpu.wait_dma2 semaphore(%run_scoped3A : memref<!tpu.dma_semaphore, #tpu.memory_space<semaphore_mem>>) src(%dma_wait3A_92 : memref<128xi32, #tpu.memory_space<hbm>>) dst(%dma_wait3A_91 : memref<128xi32, #tpu.memory_space<vmem>>)
      tpu.yield
    }) : () -> ()
    %add3A_7 = arith.constant 8192 : i32
    %add3A_8 = arith.addi %add3A_7, %mul3A_2 : i32
    "tpu.region"() ({
      %run_scoped3A = tpu.sem_alloc : memref<!tpu.dma_semaphore, #tpu.memory_space<semaphore_mem>>
      %dma_start3A_81 = arith.constant 256 : i32
      %dma_start3A_82 = tpu.memref_slice %arg8[%dma_start3A_81] : memref<512xi32, #tpu.memory_space<vmem>> -> memref<128xi32, #tpu.memory_space<vmem>>
      %dma_start3A_83 = tpu.memref_slice %arg2[%add3A_8] : memref<16384xi32, #tpu.memory_space<hbm>> -> memref<128xi32, #tpu.memory_space<hbm>>
      %dma_start3A_84 = arith.constant 256 : i32
      %dma_start3A_85 = tpu.memref_slice %arg8[%dma_start3A_84] : memref<512xi32, #tpu.memory_space<vmem>> -> memref<128xi32, #tpu.memory_space<vmem>>
      %dma_start3A_86 = tpu.memref_slice %arg2[%add3A_8] : memref<16384xi32, #tpu.memory_space<hbm>> -> memref<128xi32, #tpu.memory_space<hbm>>
      tpu.enqueue_dma source(%dma_start3A_86 : memref<128xi32, #tpu.memory_space<hbm>>) target(%dma_start3A_85 : memref<128xi32, #tpu.memory_space<vmem>>) target_semaphore(%run_scoped3A : memref<!tpu.dma_semaphore, #tpu.memory_space<semaphore_mem>>)
      %dma_wait3A_87 = arith.constant 256 : i32
      %dma_wait3A_88 = tpu.memref_slice %arg8[%dma_wait3A_87] : memref<512xi32, #tpu.memory_space<vmem>> -> memref<128xi32, #tpu.memory_space<vmem>>
      %dma_wait3A_89 = tpu.memref_slice %arg2[%add3A_8] : memref<16384xi32, #tpu.memory_space<hbm>> -> memref<128xi32, #tpu.memory_space<hbm>>
      %dma_wait3A_90 = arith.constant 256 : i32
      %dma_wait3A_91 = tpu.memref_slice %arg8[%dma_wait3A_90] : memref<512xi32, #tpu.memory_space<vmem>> -> memref<128xi32, #tpu.memory_space<vmem>>
      %dma_wait3A_92 = tpu.memref_slice %arg2[%add3A_8] : memref<16384xi32, #tpu.memory_space<hbm>> -> memref<128xi32, #tpu.memory_space<hbm>>
      tpu.wait_dma2 semaphore(%run_scoped3A : memref<!tpu.dma_semaphore, #tpu.memory_space<semaphore_mem>>) src(%dma_wait3A_92 : memref<128xi32, #tpu.memory_space<hbm>>) dst(%dma_wait3A_91 : memref<128xi32, #tpu.memory_space<vmem>>)
      tpu.yield
    }) : () -> ()
    %add3A_9 = arith.constant 12288 : i32
    %add3A_10 = arith.addi %add3A_9, %mul3A_2 : i32
    "tpu.region"() ({
      %run_scoped3A = tpu.sem_alloc : memref<!tpu.dma_semaphore, #tpu.memory_space<semaphore_mem>>
      %dma_start3A_81 = arith.constant 384 : i32
      %dma_start3A_82 = tpu.memref_slice %arg8[%dma_start3A_81] : memref<512xi32, #tpu.memory_space<vmem>> -> memref<128xi32, #tpu.memory_space<vmem>>
      %dma_start3A_83 = tpu.memref_slice %arg2[%add3A_10] : memref<16384xi32, #tpu.memory_space<hbm>> -> memref<128xi32, #tpu.memory_space<hbm>>
      %dma_start3A_84 = arith.constant 384 : i32
      %dma_start3A_85 = tpu.memref_slice %arg8[%dma_start3A_84] : memref<512xi32, #tpu.memory_space<vmem>> -> memref<128xi32, #tpu.memory_space<vmem>>
      %dma_start3A_86 = tpu.memref_slice %arg2[%add3A_10] : memref<16384xi32, #tpu.memory_space<hbm>> -> memref<128xi32, #tpu.memory_space<hbm>>
      tpu.enqueue_dma source(%dma_start3A_86 : memref<128xi32, #tpu.memory_space<hbm>>) target(%dma_start3A_85 : memref<128xi32, #tpu.memory_space<vmem>>) target_semaphore(%run_scoped3A : memref<!tpu.dma_semaphore, #tpu.memory_space<semaphore_mem>>)
      %dma_wait3A_87 = arith.constant 384 : i32
      %dma_wait3A_88 = tpu.memref_slice %arg8[%dma_wait3A_87] : memref<512xi32, #tpu.memory_space<vmem>> -> memref<128xi32, #tpu.memory_space<vmem>>
      %dma_wait3A_89 = tpu.memref_slice %arg2[%add3A_10] : memref<16384xi32, #tpu.memory_space<hbm>> -> memref<128xi32, #tpu.memory_space<hbm>>
      %dma_wait3A_90 = arith.constant 384 : i32
      %dma_wait3A_91 = tpu.memref_slice %arg8[%dma_wait3A_90] : memref<512xi32, #tpu.memory_space<vmem>> -> memref<128xi32, #tpu.memory_space<vmem>>
      %dma_wait3A_92 = tpu.memref_slice %arg2[%add3A_10] : memref<16384xi32, #tpu.memory_space<hbm>> -> memref<128xi32, #tpu.memory_space<hbm>>
      tpu.wait_dma2 semaphore(%run_scoped3A : memref<!tpu.dma_semaphore, #tpu.memory_space<semaphore_mem>>) src(%dma_wait3A_92 : memref<128xi32, #tpu.memory_space<hbm>>) dst(%dma_wait3A_91 : memref<128xi32, #tpu.memory_space<vmem>>)
      tpu.yield
    }) : () -> ()
    %dma_start3A = arith.constant 0 : i32
    %dma_start3A_11 = arith.constant 0 : i32
    %dma_start3A_12 = arith.constant 0 : i32
    %dma_start3A_13 = tpu.memref_slice %arg10[%dma_start3A_11, %dma_start3A_12] : memref<32x1024xf32, #tpu.memory_space<vmem>> -> memref<16x1024xf32, #tpu.memory_space<vmem>>
    %dma_start3A_14 = arith.constant 0 : i32
    %dma_start3A_15 = tpu.memref_slice %arg4[%mul3A_2, %dma_start3A_14] : memref<4096x1024xf32, #tpu.memory_space<hbm>> -> memref<16x1024xf32, #tpu.memory_space<hbm>>
    %dma_start3A_16 = tpu.memref_slice %arg15[%dma_start3A] : memref<2x!tpu.dma_semaphore, #tpu.memory_space<semaphore_mem>> -> memref<1x!tpu.dma_semaphore, #tpu.memory_space<semaphore_mem>>
    %dma_start3A_17 = tpu.memref_squeeze %dma_start3A_16 : memref<1x!tpu.dma_semaphore, #tpu.memory_space<semaphore_mem>> -> memref<!tpu.dma_semaphore, #tpu.memory_space<semaphore_mem>>
    %dma_start3A_18 = arith.constant 0 : i32
    %dma_start3A_19 = arith.constant 0 : i32
    %dma_start3A_20 = tpu.memref_slice %arg10[%dma_start3A_18, %dma_start3A_19] : memref<32x1024xf32, #tpu.memory_space<vmem>> -> memref<16x1024xf32, #tpu.memory_space<vmem>>
    %dma_start3A_21 = arith.constant 0 : i32
    %dma_start3A_22 = tpu.memref_slice %arg4[%mul3A_2, %dma_start3A_21] : memref<4096x1024xf32, #tpu.memory_space<hbm>> -> memref<16x1024xf32, #tpu.memory_space<hbm>>
    tpu.enqueue_dma source(%dma_start3A_22 : memref<16x1024xf32, #tpu.memory_space<hbm>>) target(%dma_start3A_20 : memref<16x1024xf32, #tpu.memory_space<vmem>>) target_semaphore(%dma_start3A_17 : memref<!tpu.dma_semaphore, #tpu.memory_space<semaphore_mem>>)
    %add3A_23 = arith.constant 16 : i32
    %add3A_24 = arith.addi %mul3A_2, %add3A_23 : i32
    %dma_start3A_25 = arith.constant 1 : i32
    %dma_start3A_26 = arith.constant 16 : i32
    %dma_start3A_27 = arith.constant 0 : i32
    %dma_start3A_28 = tpu.memref_slice %arg10[%dma_start3A_26, %dma_start3A_27] : memref<32x1024xf32, #tpu.memory_space<vmem>> -> memref<16x1024xf32, #tpu.memory_space<vmem>>
    %dma_start3A_29 = arith.constant 0 : i32
    %dma_start3A_30 = tpu.memref_slice %arg4[%add3A_24, %dma_start3A_29] : memref<4096x1024xf32, #tpu.memory_space<hbm>> -> memref<16x1024xf32, #tpu.memory_space<hbm>>
    %dma_start3A_31 = tpu.memref_slice %arg15[%dma_start3A_25] : memref<2x!tpu.dma_semaphore, #tpu.memory_space<semaphore_mem>> -> memref<1x!tpu.dma_semaphore, #tpu.memory_space<semaphore_mem>>
    %dma_start3A_32 = tpu.memref_squeeze %dma_start3A_31 : memref<1x!tpu.dma_semaphore, #tpu.memory_space<semaphore_mem>> -> memref<!tpu.dma_semaphore, #tpu.memory_space<semaphore_mem>>
    %dma_start3A_33 = arith.constant 16 : i32
    %dma_start3A_34 = arith.constant 0 : i32
    %dma_start3A_35 = tpu.memref_slice %arg10[%dma_start3A_33, %dma_start3A_34] : memref<32x1024xf32, #tpu.memory_space<vmem>> -> memref<16x1024xf32, #tpu.memory_space<vmem>>
    %dma_start3A_36 = arith.constant 0 : i32
    %dma_start3A_37 = tpu.memref_slice %arg4[%add3A_24, %dma_start3A_36] : memref<4096x1024xf32, #tpu.memory_space<hbm>> -> memref<16x1024xf32, #tpu.memory_space<hbm>>
    tpu.enqueue_dma source(%dma_start3A_37 : memref<16x1024xf32, #tpu.memory_space<hbm>>) target(%dma_start3A_35 : memref<16x1024xf32, #tpu.memory_space<vmem>>) target_semaphore(%dma_start3A_32 : memref<!tpu.dma_semaphore, #tpu.memory_space<semaphore_mem>>)
    %dma_start3A_38 = arith.constant 0 : i32
    %dma_start3A_39 = arith.constant 0 : i32
    %dma_start3A_40 = arith.constant 0 : i32
    %dma_start3A_41 = tpu.memref_slice %arg9[%dma_start3A_39, %dma_start3A_40] : memref<64x1024xf32, #tpu.memory_space<vmem>> -> memref<16x1024xf32, #tpu.memory_space<vmem>>
    %dma_start3A_42 = arith.constant 0 : i32
    %dma_start3A_43 = tpu.memref_slice %arg8[%dma_start3A_42] : memref<512xi32, #tpu.memory_space<vmem>> -> memref<16xi32, #tpu.memory_space<vmem>>
    %dma_start3A_44 = arith.constant 0 : i32
    %dma_start3A_45 = arith.constant 0 : i32
    %dma_start3A_46 = tpu.memref_slice %arg3[%dma_start3A_44, %dma_start3A_45] : memref<100000x1024xf32, #tpu.memory_space<hbm>> -> memref<100000x1024xf32, #tpu.memory_space<hbm>>
    %dma_start3A_47 = tpu.memref_slice %arg13[%dma_start3A_38] : memref<4x!tpu.dma_semaphore, #tpu.memory_space<semaphore_mem>> -> memref<1x!tpu.dma_semaphore, #tpu.memory_space<semaphore_mem>>
    %dma_start3A_48 = tpu.memref_squeeze %dma_start3A_47 : memref<1x!tpu.dma_semaphore, #tpu.memory_space<semaphore_mem>> -> memref<!tpu.dma_semaphore, #tpu.memory_space<semaphore_mem>>
    tpu.enqueue_indirect_dma source(%dma_start3A_46 : memref<100000x1024xf32, #tpu.memory_space<hbm>>) target(%dma_start3A_41 : memref<16x1024xf32, #tpu.memory_space<vmem>>) offsets(%dma_start3A_43 : memref<16xi32, #tpu.memory_space<vmem>>) semaphore(%dma_start3A_48 : memref<!tpu.dma_semaphore, #tpu.memory_space<semaphore_mem>>)
    %dma_start3A_49 = arith.constant 1 : i32
    %dma_start3A_50 = arith.constant 16 : i32
    %dma_start3A_51 = arith.constant 0 : i32
    %dma_start3A_52 = tpu.memref_slice %arg9[%dma_start3A_50, %dma_start3A_51] : memref<64x1024xf32, #tpu.memory_space<vmem>> -> memref<16x1024xf32, #tpu.memory_space<vmem>>
    %dma_start3A_53 = arith.constant 128 : i32
    %dma_start3A_54 = tpu.memref_slice %arg8[%dma_start3A_53] : memref<512xi32, #tpu.memory_space<vmem>> -> memref<16xi32, #tpu.memory_space<vmem>>
    %dma_start3A_55 = arith.constant 0 : i32
    %dma_start3A_56 = arith.constant 0 : i32
    %dma_start3A_57 = tpu.memref_slice %arg3[%dma_start3A_55, %dma_start3A_56] : memref<100000x1024xf32, #tpu.memory_space<hbm>> -> memref<100000x1024xf32, #tpu.memory_space<hbm>>
    %dma_start3A_58 = tpu.memref_slice %arg13[%dma_start3A_49] : memref<4x!tpu.dma_semaphore, #tpu.memory_space<semaphore_mem>> -> memref<1x!tpu.dma_semaphore, #tpu.memory_space<semaphore_mem>>
    %dma_start3A_59 = tpu.memref_squeeze %dma_start3A_58 : memref<1x!tpu.dma_semaphore, #tpu.memory_space<semaphore_mem>> -> memref<!tpu.dma_semaphore, #tpu.memory_space<semaphore_mem>>
    tpu.enqueue_indirect_dma source(%dma_start3A_57 : memref<100000x1024xf32, #tpu.memory_space<hbm>>) target(%dma_start3A_52 : memref<16x1024xf32, #tpu.memory_space<vmem>>) offsets(%dma_start3A_54 : memref<16xi32, #tpu.memory_space<vmem>>) semaphore(%dma_start3A_59 : memref<!tpu.dma_semaphore, #tpu.memory_space<semaphore_mem>>)
    %scan3A = arith.constant 9.765625E-4 : f32
    %scan3A_60 = arith.constant 0 : i32
    %scan3A_61 = arith.constant 0 : i32
    %scan3A_62 = arith.constant 32 : i32
    %scan3A_63 = arith.addi %scan3A_61, %scan3A_62 : i32
    %scan3A_64 = arith.constant 1 : i32
    %scan3A_65 = scf.for %scan3A_81 = %scan3A_61 to %scan3A_63 step %scan3A_64 iter_args(%scan3A_82 = %scan3A_60) -> (i32)  : i32 {
      %jit3A = arith.constant 4 : i32
      %eq3A = arith.constant 0 : i32
      %eq3A_83 = arith.cmpi eq, %jit3A, %eq3A : i32
      %jit3A_84 = arith.constant 1 : i32
      %select_n3A = arith.select %eq3A_83, %jit3A_84, %jit3A : i32
      %rem3A = arith.remsi %scan3A_81, %select_n3A : i32
      %ne3A = arith.constant 0 : i32
      %ne3A_85 = arith.cmpi ne, %rem3A, %ne3A : i32
      %lt3A = arith.constant 0 : i32
      %lt3A_86 = arith.cmpi slt, %rem3A, %lt3A : i32
      %lt3A_87 = arith.constant 0 : i32
      %lt3A_88 = arith.cmpi slt, %select_n3A, %lt3A_87 : i32
      %ne3A_89 = arith.xori %lt3A_86, %lt3A_88 : i1
      %and3A = arith.andi %ne3A_89, %ne3A_85 : i1
      %add3A_90 = arith.addi %rem3A, %select_n3A : i32
      %select_n3A_91 = arith.select %and3A, %add3A_90, %rem3A : i32
      %lt3A_92 = arith.constant 30 : i32
      %lt3A_93 = arith.cmpi slt, %scan3A_81, %lt3A_92 : i32
      %convert_element_type3A = arith.extui %lt3A_93 : i1 to i32
      %cond3A = arith.constant 0 : i32
      %cond3A_94 = arith.cmpi ne, %convert_element_type3A, %cond3A : i32
      scf.if %cond3A_94 {
        %add3A_246 = arith.constant 2 : i32
        %add3A_247 = arith.addi %scan3A_81, %add3A_246 : i32
        %jit3A_248 = arith.constant 4 : i32
        %eq3A_249 = arith.constant 0 : i32
        %eq3A_250 = arith.cmpi eq, %jit3A_248, %eq3A_249 : i32
        %jit3A_251 = arith.constant 1 : i32
        %select_n3A_252 = arith.select %eq3A_250, %jit3A_251, %jit3A_248 : i32
        %rem3A_253 = arith.remsi %add3A_247, %select_n3A_252 : i32
        %ne3A_254 = arith.constant 0 : i32
        %ne3A_255 = arith.cmpi ne, %rem3A_253, %ne3A_254 : i32
        %lt3A_256 = arith.constant 0 : i32
        %lt3A_257 = arith.cmpi slt, %rem3A_253, %lt3A_256 : i32
        %lt3A_258 = arith.constant 0 : i32
        %lt3A_259 = arith.cmpi slt, %select_n3A_252, %lt3A_258 : i32
        %ne3A_260 = arith.xori %lt3A_257, %lt3A_259 : i1
        %and3A_261 = arith.andi %ne3A_260, %ne3A_255 : i1
        %add3A_262 = arith.addi %rem3A_253, %select_n3A_252 : i32
        %select_n3A_263 = arith.select %and3A_261, %add3A_262, %rem3A_253 : i32
        %jit3A_264 = arith.constant 4 : i32
        %eq3A_265 = arith.constant 0 : i32
        %eq3A_266 = arith.cmpi eq, %jit3A_264, %eq3A_265 : i32
        %jit3A_267 = arith.constant 1 : i32
        %select_n3A_268 = arith.select %eq3A_266, %jit3A_267, %jit3A_264 : i32
        %rem3A_269 = arith.remsi %add3A_247, %select_n3A_268 : i32
        %ne3A_270 = arith.constant 0 : i32
        %ne3A_271 = arith.cmpi ne, %rem3A_269, %ne3A_270 : i32
        %lt3A_272 = arith.constant 0 : i32
        %lt3A_273 = arith.cmpi slt, %rem3A_269, %lt3A_272 : i32
        %lt3A_274 = arith.constant 0 : i32
        %lt3A_275 = arith.cmpi slt, %select_n3A_268, %lt3A_274 : i32
        %ne3A_276 = arith.xori %lt3A_273, %lt3A_275 : i1
        %and3A_277 = arith.andi %ne3A_276, %ne3A_271 : i1
        %add3A_278 = arith.addi %rem3A_269, %select_n3A_268 : i32
        %select_n3A_279 = arith.select %and3A_277, %add3A_278, %rem3A_269 : i32
        %mul3A_280 = arith.constant 128 : i32
        %mul3A_281 = arith.muli %select_n3A_279, %mul3A_280 : i32
        %jit3A_282 = arith.constant 4 : i32
        %div3A_283 = arith.divsi %add3A_247, %jit3A_282 : i32
        %sign3A_284 = arith.constant 0 : i32
        %sign3A_285 = arith.cmpi sgt, %add3A_247, %sign3A_284 : i32
        %sign3A_286 = arith.extui %sign3A_285 : i1 to i32
        %sign3A_287 = arith.constant 0 : i32
        %sign3A_288 = arith.cmpi slt, %add3A_247, %sign3A_287 : i32
        %sign3A_289 = arith.extui %sign3A_288 : i1 to i32
        %sign3A_290 = arith.subi %sign3A_286, %sign3A_289 : i32
        %sign3A_291 = arith.constant 0 : i32
        %sign3A_292 = arith.cmpi sgt, %jit3A_282, %sign3A_291 : i32
        %sign3A_293 = arith.extui %sign3A_292 : i1 to i32
        %sign3A_294 = arith.constant 0 : i32
        %sign3A_295 = arith.cmpi slt, %jit3A_282, %sign3A_294 : i32
        %sign3A_296 = arith.extui %sign3A_295 : i1 to i32
        %sign3A_297 = arith.subi %sign3A_293, %sign3A_296 : i32
        %ne3A_298 = arith.cmpi ne, %sign3A_290, %sign3A_297 : i32
        %rem3A_299 = arith.remsi %add3A_247, %jit3A_282 : i32
        %ne3A_300 = arith.constant 0 : i32
        %ne3A_301 = arith.cmpi ne, %rem3A_299, %ne3A_300 : i32
        %and3A_302 = arith.andi %ne3A_298, %ne3A_301 : i1
        %sub3A_303 = arith.constant 1 : i32
        %sub3A_304 = arith.subi %div3A_283, %sub3A_303 : i32
        %select_n3A_305 = arith.select %and3A_302, %sub3A_304, %div3A_283 : i32
        %mul3A_306 = arith.constant 16 : i32
        %mul3A_307 = arith.muli %select_n3A_305, %mul3A_306 : i32
        %add3A_308 = arith.addi %mul3A_281, %mul3A_307 : i32
        %mul3A_309 = arith.constant 16 : i32
        %mul3A_310 = arith.muli %select_n3A_263, %mul3A_309 : i32
        %dma_start3A_311 = arith.constant 0 : i32
        %dma_start3A_312 = tpu.memref_slice %arg9[%mul3A_310, %dma_start3A_311] : memref<64x1024xf32, #tpu.memory_space<vmem>> -> memref<16x1024xf32, #tpu.memory_space<vmem>>
        %dma_start3A_313 = tpu.memref_slice %arg8[%add3A_308] : memref<512xi32, #tpu.memory_space<vmem>> -> memref<16xi32, #tpu.memory_space<vmem>>
        %dma_start3A_314 = arith.constant 0 : i32
        %dma_start3A_315 = arith.constant 0 : i32
        %dma_start3A_316 = tpu.memref_slice %arg3[%dma_start3A_314, %dma_start3A_315] : memref<100000x1024xf32, #tpu.memory_space<hbm>> -> memref<100000x1024xf32, #tpu.memory_space<hbm>>
        %dma_start3A_317 = tpu.memref_slice %arg13[%select_n3A_263] : memref<4x!tpu.dma_semaphore, #tpu.memory_space<semaphore_mem>> -> memref<1x!tpu.dma_semaphore, #tpu.memory_space<semaphore_mem>>
        %dma_start3A_318 = tpu.memref_squeeze %dma_start3A_317 : memref<1x!tpu.dma_semaphore, #tpu.memory_space<semaphore_mem>> -> memref<!tpu.dma_semaphore, #tpu.memory_space<semaphore_mem>>
        tpu.enqueue_indirect_dma source(%dma_start3A_316 : memref<100000x1024xf32, #tpu.memory_space<hbm>>) target(%dma_start3A_312 : memref<16x1024xf32, #tpu.memory_space<vmem>>) offsets(%dma_start3A_313 : memref<16xi32, #tpu.memory_space<vmem>>) semaphore(%dma_start3A_318 : memref<!tpu.dma_semaphore, #tpu.memory_space<semaphore_mem>>)
      } else {
      }
      "tpu.trace_start"() <{level = 10 : i32, message = "gwait"}> : () -> ()
      %mul3A_95 = arith.constant 16 : i32
      %mul3A_96 = arith.muli %select_n3A_91, %mul3A_95 : i32
      %dma_wait3A_97 = arith.constant 0 : i32
      %dma_wait3A_98 = tpu.memref_slice %arg9[%mul3A_96, %dma_wait3A_97] : memref<64x1024xf32, #tpu.memory_space<vmem>> -> memref<16x1024xf32, #tpu.memory_space<vmem>>
      %dma_wait3A_99 = arith.constant 0 : i32
      %dma_wait3A_100 = arith.constant 0 : i32
      %dma_wait3A_101 = tpu.memref_slice %arg4[%dma_wait3A_99, %dma_wait3A_100] : memref<4096x1024xf32, #tpu.memory_space<hbm>> -> memref<16x1024xf32, #tpu.memory_space<hbm>>
      %dma_wait3A_102 = tpu.memref_slice %arg13[%select_n3A_91] : memref<4x!tpu.dma_semaphore, #tpu.memory_space<semaphore_mem>> -> memref<1x!tpu.dma_semaphore, #tpu.memory_space<semaphore_mem>>
      %dma_wait3A_103 = tpu.memref_squeeze %dma_wait3A_102 : memref<1x!tpu.dma_semaphore, #tpu.memory_space<semaphore_mem>> -> memref<!tpu.dma_semaphore, #tpu.memory_space<semaphore_mem>>
      %dma_wait3A_104 = arith.constant 0 : i32
      %dma_wait3A_105 = tpu.memref_slice %arg9[%mul3A_96, %dma_wait3A_104] : memref<64x1024xf32, #tpu.memory_space<vmem>> -> memref<16x1024xf32, #tpu.memory_space<vmem>>
      %dma_wait3A_106 = arith.constant 0 : i32
      %dma_wait3A_107 = arith.constant 0 : i32
      %dma_wait3A_108 = tpu.memref_slice %arg4[%dma_wait3A_106, %dma_wait3A_107] : memref<4096x1024xf32, #tpu.memory_space<hbm>> -> memref<16x1024xf32, #tpu.memory_space<hbm>>
      tpu.wait_dma2 semaphore(%dma_wait3A_103 : memref<!tpu.dma_semaphore, #tpu.memory_space<semaphore_mem>>) src(%dma_wait3A_108 : memref<16x1024xf32, #tpu.memory_space<hbm>>) dst(%dma_wait3A_105 : memref<16x1024xf32, #tpu.memory_space<vmem>>)
      %jit3A_109 = arith.constant 4 : i32
      "tpu.trace_stop"() : () -> ()
      %div3A = arith.divsi %scan3A_81, %jit3A_109 : i32
      %sign3A = arith.constant 0 : i32
      %sign3A_110 = arith.cmpi sgt, %scan3A_81, %sign3A : i32
      %sign3A_111 = arith.extui %sign3A_110 : i1 to i32
      %sign3A_112 = arith.constant 0 : i32
      %sign3A_113 = arith.cmpi slt, %scan3A_81, %sign3A_112 : i32
      %sign3A_114 = arith.extui %sign3A_113 : i1 to i32
      %sign3A_115 = arith.subi %sign3A_111, %sign3A_114 : i32
      %sign3A_116 = arith.constant 0 : i32
      %sign3A_117 = arith.cmpi sgt, %jit3A_109, %sign3A_116 : i32
      %sign3A_118 = arith.extui %sign3A_117 : i1 to i32
      %sign3A_119 = arith.constant 0 : i32
      %sign3A_120 = arith.cmpi slt, %jit3A_109, %sign3A_119 : i32
      %sign3A_121 = arith.extui %sign3A_120 : i1 to i32
      %sign3A_122 = arith.subi %sign3A_118, %sign3A_121 : i32
      %ne3A_123 = arith.cmpi ne, %sign3A_115, %sign3A_122 : i32
      %rem3A_124 = arith.remsi %scan3A_81, %jit3A_109 : i32
      %ne3A_125 = arith.constant 0 : i32
      %ne3A_126 = arith.cmpi ne, %rem3A_124, %ne3A_125 : i32
      %and3A_127 = arith.andi %ne3A_123, %ne3A_126 : i1
      %sub3A = arith.constant 1 : i32
      %sub3A_128 = arith.subi %div3A, %sub3A : i32
      %select_n3A_129 = arith.select %and3A_127, %sub3A_128, %div3A : i32
      %and3A_130 = arith.constant 1 : i32
      %and3A_131 = arith.andi %select_n3A_129, %and3A_130 : i32
      %jit3A_132 = arith.constant 4 : i32
      "tpu.trace_start"() <{level = 10 : i32, message = "pwait"}> : () -> ()
      %eq3A_133 = arith.constant 0 : i32
      %eq3A_134 = arith.cmpi eq, %jit3A_132, %eq3A_133 : i32
      %jit3A_135 = arith.constant 1 : i32
      %select_n3A_136 = arith.select %eq3A_134, %jit3A_135, %jit3A_132 : i32
      %rem3A_137 = arith.remsi %scan3A_81, %select_n3A_136 : i32
      %ne3A_138 = arith.constant 0 : i32
      %ne3A_139 = arith.cmpi ne, %rem3A_137, %ne3A_138 : i32
      %lt3A_140 = arith.constant 0 : i32
      %lt3A_141 = arith.cmpi slt, %rem3A_137, %lt3A_140 : i32
      %lt3A_142 = arith.constant 0 : i32
      %lt3A_143 = arith.cmpi slt, %select_n3A_136, %lt3A_142 : i32
      %ne3A_144 = arith.xori %lt3A_141, %lt3A_143 : i1
      %and3A_145 = arith.andi %ne3A_144, %ne3A_139 : i1
      %add3A_146 = arith.addi %rem3A_137, %select_n3A_136 : i32
      %select_n3A_147 = arith.select %and3A_145, %add3A_146, %rem3A_137 : i32
      %eq3A_148 = arith.constant 0 : i32
      %eq3A_149 = arith.cmpi eq, %select_n3A_147, %eq3A_148 : i32
      %convert_element_type3A_150 = arith.extui %eq3A_149 : i1 to i32
      %cond3A_151 = arith.constant 0 : i32
      %cond3A_152 = arith.cmpi ne, %convert_element_type3A_150, %cond3A_151 : i32
      scf.if %cond3A_152 {
        %mul3A_246 = arith.constant 16 : i32
        %mul3A_247 = arith.muli %and3A_131, %mul3A_246 : i32
        %dma_wait3A_248 = arith.constant 0 : i32
        %dma_wait3A_249 = tpu.memref_slice %arg10[%mul3A_247, %dma_wait3A_248] : memref<32x1024xf32, #tpu.memory_space<vmem>> -> memref<16x1024xf32, #tpu.memory_space<vmem>>
        %dma_wait3A_250 = arith.constant 0 : i32
        %dma_wait3A_251 = arith.constant 0 : i32
        %dma_wait3A_252 = tpu.memref_slice %arg4[%dma_wait3A_250, %dma_wait3A_251] : memref<4096x1024xf32, #tpu.memory_space<hbm>> -> memref<16x1024xf32, #tpu.memory_space<hbm>>
        %dma_wait3A_253 = tpu.memref_slice %arg15[%and3A_131] : memref<2x!tpu.dma_semaphore, #tpu.memory_space<semaphore_mem>> -> memref<1x!tpu.dma_semaphore, #tpu.memory_space<semaphore_mem>>
        %dma_wait3A_254 = tpu.memref_squeeze %dma_wait3A_253 : memref<1x!tpu.dma_semaphore, #tpu.memory_space<semaphore_mem>> -> memref<!tpu.dma_semaphore, #tpu.memory_space<semaphore_mem>>
        %dma_wait3A_255 = arith.constant 0 : i32
        %dma_wait3A_256 = tpu.memref_slice %arg10[%mul3A_247, %dma_wait3A_255] : memref<32x1024xf32, #tpu.memory_space<vmem>> -> memref<16x1024xf32, #tpu.memory_space<vmem>>
        %dma_wait3A_257 = arith.constant 0 : i32
        %dma_wait3A_258 = arith.constant 0 : i32
        %dma_wait3A_259 = tpu.memref_slice %arg4[%dma_wait3A_257, %dma_wait3A_258] : memref<4096x1024xf32, #tpu.memory_space<hbm>> -> memref<16x1024xf32, #tpu.memory_space<hbm>>
        tpu.wait_dma2 semaphore(%dma_wait3A_254 : memref<!tpu.dma_semaphore, #tpu.memory_space<semaphore_mem>>) src(%dma_wait3A_259 : memref<16x1024xf32, #tpu.memory_space<hbm>>) dst(%dma_wait3A_256 : memref<16x1024xf32, #tpu.memory_space<vmem>>)
      } else {
      }
      %parallel_loop3A = arith.constant 0 : i32
      %parallel_loop3A_153 = arith.constant 4 : i32
      %parallel_loop3A_154 = arith.constant 1 : i32
      "tpu.trace_stop"() : () -> ()
      "tpu.trace_start"() <{level = 10 : i32, message = "ln"}> : () -> ()
      scf.for %parallel_loop3A_246 = %parallel_loop3A to %parallel_loop3A_153 step %parallel_loop3A_154  : i32 {
        %parallel_loop3A_247 = arith.constant 16 : i32
        %parallel_loop3A_248 = arith.muli %select_n3A_91, %parallel_loop3A_247 : i32
        %parallel_loop3A_249 = arith.constant 16 : i32
        %parallel_loop3A_250 = arith.muli %and3A_131, %parallel_loop3A_249 : i32
        %parallel_loop3A_251 = arith.constant 4 : i32
        %parallel_loop3A_252 = arith.muli %parallel_loop3A_246, %parallel_loop3A_251 : i32
        %parallel_loop3A_253 = arith.addi %parallel_loop3A_248, %parallel_loop3A_252 : i32
        %parallel_loop3A_254 = arith.constant 4 : i32
        %parallel_loop3A_255 = arith.muli %parallel_loop3A_246, %parallel_loop3A_254 : i32
        %parallel_loop3A_256 = arith.addi %parallel_loop3A_250, %parallel_loop3A_255 : i32
        %parallel_loop3A_257 = arith.constant 0.000000e+00 : f32
        %parallel_loop3A_258 = vector.broadcast %parallel_loop3A_257 : f32 to vector<16xf32>
        %parallel_loop3A_259 = arith.constant 0 : i32
        %parallel_loop3A_260 = arith.constant 64 : i32
        %parallel_loop3A_261 = arith.constant 1 : i32
        %parallel_loop3A_262:8 = scf.for %parallel_loop3A_650 = %parallel_loop3A_259 to %parallel_loop3A_260 step %parallel_loop3A_261 iter_args(%parallel_loop3A_651 = %parallel_loop3A_258, %parallel_loop3A_652 = %parallel_loop3A_258, %parallel_loop3A_653 = %parallel_loop3A_258, %parallel_loop3A_654 = %parallel_loop3A_258, %parallel_loop3A_655 = %parallel_loop3A_258, %parallel_loop3A_656 = %parallel_loop3A_258, %parallel_loop3A_657 = %parallel_loop3A_258, %parallel_loop3A_658 = %parallel_loop3A_258) -> (vector<16xf32>, vector<16xf32>, vector<16xf32>, vector<16xf32>, vector<16xf32>, vector<16xf32>, vector<16xf32>, vector<16xf32>)  : i32 {
          %parallel_loop3A_659 = arith.constant 0 : i32
          %parallel_loop3A_660 = arith.addi %parallel_loop3A_253, %parallel_loop3A_659 : i32
          %parallel_loop3A_661 = arith.constant 16 : i32
          %parallel_loop3A_662 = arith.muli %parallel_loop3A_650, %parallel_loop3A_661 : i32
          %parallel_loop3A_663 = arith.index_cast %parallel_loop3A_660 : i32 to index
          %parallel_loop3A_664 = arith.index_cast %parallel_loop3A_662 : i32 to index
          %parallel_loop3A_665 = tpu.vector_load %arg9[%parallel_loop3A_663, %parallel_loop3A_664] {strides = array<i32>} : memref<64x1024xf32, #tpu.memory_space<vmem>>, vector<1x16xf32>,
          %parallel_loop3A_666 = vector.shape_cast %parallel_loop3A_665 : vector<1x16xf32> to vector<16xf32>
          %parallel_loop3A_667 = arith.constant 0 : i32
          %parallel_loop3A_668 = arith.addi %parallel_loop3A_256, %parallel_loop3A_667 : i32
          %parallel_loop3A_669 = arith.constant 16 : i32
          %parallel_loop3A_670 = arith.muli %parallel_loop3A_650, %parallel_loop3A_669 : i32
          %parallel_loop3A_671 = arith.index_cast %parallel_loop3A_668 : i32 to index
          %parallel_loop3A_672 = arith.index_cast %parallel_loop3A_670 : i32 to index
          %parallel_loop3A_673 = tpu.vector_load %arg10[%parallel_loop3A_671, %parallel_loop3A_672] {strides = array<i32>} : memref<32x1024xf32, #tpu.memory_space<vmem>>, vector<1x16xf32>,
          %parallel_loop3A_674 = vector.shape_cast %parallel_loop3A_673 : vector<1x16xf32> to vector<16xf32>
          %parallel_loop3A_675 = arith.addf %parallel_loop3A_666, %parallel_loop3A_674 : vector<16xf32>
          %parallel_loop3A_676 = arith.addf %parallel_loop3A_651, %parallel_loop3A_675 : vector<16xf32>
          %parallel_loop3A_677 = arith.mulf %parallel_loop3A_675, %parallel_loop3A_675 : vector<16xf32>
          %parallel_loop3A_678 = arith.addf %parallel_loop3A_655, %parallel_loop3A_677 : vector<16xf32>
          %parallel_loop3A_679 = arith.constant 1 : i32
          %parallel_loop3A_680 = arith.addi %parallel_loop3A_253, %parallel_loop3A_679 : i32
          %parallel_loop3A_681 = arith.constant 16 : i32
          %parallel_loop3A_682 = arith.muli %parallel_loop3A_650, %parallel_loop3A_681 : i32
          %parallel_loop3A_683 = arith.index_cast %parallel_loop3A_680 : i32 to index
          %parallel_loop3A_684 = arith.index_cast %parallel_loop3A_682 : i32 to index
          %parallel_loop3A_685 = tpu.vector_load %arg9[%parallel_loop3A_683, %parallel_loop3A_684] {strides = array<i32>} : memref<64x1024xf32, #tpu.memory_space<vmem>>, vector<1x16xf32>,
          %parallel_loop3A_686 = vector.shape_cast %parallel_loop3A_685 : vector<1x16xf32> to vector<16xf32>
          %parallel_loop3A_687 = arith.constant 1 : i32
          %parallel_loop3A_688 = arith.addi %parallel_loop3A_256, %parallel_loop3A_687 : i32
          %parallel_loop3A_689 = arith.constant 16 : i32
          %parallel_loop3A_690 = arith.muli %parallel_loop3A_650, %parallel_loop3A_689 : i32
          %parallel_loop3A_691 = arith.index_cast %parallel_loop3A_688 : i32 to index
          %parallel_loop3A_692 = arith.index_cast %parallel_loop3A_690 : i32 to index
          %parallel_loop3A_693 = tpu.vector_load %arg10[%parallel_loop3A_691, %parallel_loop3A_692] {strides = array<i32>} : memref<32x1024xf32, #tpu.memory_space<vmem>>, vector<1x16xf32>,
          %parallel_loop3A_694 = vector.shape_cast %parallel_loop3A_693 : vector<1x16xf32> to vector<16xf32>
          %parallel_loop3A_695 = arith.addf %parallel_loop3A_686, %parallel_loop3A_694 : vector<16xf32>
          %parallel_loop3A_696 = arith.addf %parallel_loop3A_652, %parallel_loop3A_695 : vector<16xf32>
          %parallel_loop3A_697 = arith.mulf %parallel_loop3A_695, %parallel_loop3A_695 : vector<16xf32>
          %parallel_loop3A_698 = arith.addf %parallel_loop3A_656, %parallel_loop3A_697 : vector<16xf32>
          %parallel_loop3A_699 = arith.constant 2 : i32
          %parallel_loop3A_700 = arith.addi %parallel_loop3A_253, %parallel_loop3A_699 : i32
          %parallel_loop3A_701 = arith.constant 16 : i32
          %parallel_loop3A_702 = arith.muli %parallel_loop3A_650, %parallel_loop3A_701 : i32
          %parallel_loop3A_703 = arith.index_cast %parallel_loop3A_700 : i32 to index
          %parallel_loop3A_704 = arith.index_cast %parallel_loop3A_702 : i32 to index
          %parallel_loop3A_705 = tpu.vector_load %arg9[%parallel_loop3A_703, %parallel_loop3A_704] {strides = array<i32>} : memref<64x1024xf32, #tpu.memory_space<vmem>>, vector<1x16xf32>,
          %parallel_loop3A_706 = vector.shape_cast %parallel_loop3A_705 : vector<1x16xf32> to vector<16xf32>
          %parallel_loop3A_707 = arith.constant 2 : i32
          %parallel_loop3A_708 = arith.addi %parallel_loop3A_256, %parallel_loop3A_707 : i32
          %parallel_loop3A_709 = arith.constant 16 : i32
          %parallel_loop3A_710 = arith.muli %parallel_loop3A_650, %parallel_loop3A_709 : i32
          %parallel_loop3A_711 = arith.index_cast %parallel_loop3A_708 : i32 to index
          %parallel_loop3A_712 = arith.index_cast %parallel_loop3A_710 : i32 to index
          %parallel_loop3A_713 = tpu.vector_load %arg10[%parallel_loop3A_711, %parallel_loop3A_712] {strides = array<i32>} : memref<32x1024xf32, #tpu.memory_space<vmem>>, vector<1x16xf32>,
          %parallel_loop3A_714 = vector.shape_cast %parallel_loop3A_713 : vector<1x16xf32> to vector<16xf32>
          %parallel_loop3A_715 = arith.addf %parallel_loop3A_706, %parallel_loop3A_714 : vector<16xf32>
          %parallel_loop3A_716 = arith.addf %parallel_loop3A_653, %parallel_loop3A_715 : vector<16xf32>
          %parallel_loop3A_717 = arith.mulf %parallel_loop3A_715, %parallel_loop3A_715 : vector<16xf32>
          %parallel_loop3A_718 = arith.addf %parallel_loop3A_657, %parallel_loop3A_717 : vector<16xf32>
          %parallel_loop3A_719 = arith.constant 3 : i32
          %parallel_loop3A_720 = arith.addi %parallel_loop3A_253, %parallel_loop3A_719 : i32
          %parallel_loop3A_721 = arith.constant 16 : i32
          %parallel_loop3A_722 = arith.muli %parallel_loop3A_650, %parallel_loop3A_721 : i32
          %parallel_loop3A_723 = arith.index_cast %parallel_loop3A_720 : i32 to index
          %parallel_loop3A_724 = arith.index_cast %parallel_loop3A_722 : i32 to index
          %parallel_loop3A_725 = tpu.vector_load %arg9[%parallel_loop3A_723, %parallel_loop3A_724] {strides = array<i32>} : memref<64x1024xf32, #tpu.memory_space<vmem>>, vector<1x16xf32>,
          %parallel_loop3A_726 = vector.shape_cast %parallel_loop3A_725 : vector<1x16xf32> to vector<16xf32>
          %parallel_loop3A_727 = arith.constant 3 : i32
          %parallel_loop3A_728 = arith.addi %parallel_loop3A_256, %parallel_loop3A_727 : i32
          %parallel_loop3A_729 = arith.constant 16 : i32
          %parallel_loop3A_730 = arith.muli %parallel_loop3A_650, %parallel_loop3A_729 : i32
          %parallel_loop3A_731 = arith.index_cast %parallel_loop3A_728 : i32 to index
          %parallel_loop3A_732 = arith.index_cast %parallel_loop3A_730 : i32 to index
          %parallel_loop3A_733 = tpu.vector_load %arg10[%parallel_loop3A_731, %parallel_loop3A_732] {strides = array<i32>} : memref<32x1024xf32, #tpu.memory_space<vmem>>, vector<1x16xf32>,
          %parallel_loop3A_734 = vector.shape_cast %parallel_loop3A_733 : vector<1x16xf32> to vector<16xf32>
          %parallel_loop3A_735 = arith.addf %parallel_loop3A_726, %parallel_loop3A_734 : vector<16xf32>
          %parallel_loop3A_736 = arith.addf %parallel_loop3A_654, %parallel_loop3A_735 : vector<16xf32>
          %parallel_loop3A_737 = arith.mulf %parallel_loop3A_735, %parallel_loop3A_735 : vector<16xf32>
          %parallel_loop3A_738 = arith.addf %parallel_loop3A_658, %parallel_loop3A_737 : vector<16xf32>
          scf.yield %parallel_loop3A_676, %parallel_loop3A_696, %parallel_loop3A_716, %parallel_loop3A_736, %parallel_loop3A_678, %parallel_loop3A_698, %parallel_loop3A_718, %parallel_loop3A_738 : vector<16xf32>, vector<16xf32>, vector<16xf32>, vector<16xf32>, vector<16xf32>, vector<16xf32>, vector<16xf32>, vector<16xf32>
        } {sc.loop_unroll_factor = 4 : i64, sc.parallel_access}
        %parallel_loop3A_263 = tpu.iota {dimensions = array<i32: 0>} : vector<16xi32>
        %parallel_loop3A_264 = arith.constant 1 : i32
        %parallel_loop3A_265 = vector.broadcast %parallel_loop3A_264 : i32 to vector<16xi32>
        %parallel_loop3A_266 = arith.xori %parallel_loop3A_263, %parallel_loop3A_265 : vector<16xi32>
        %parallel_loop3A_267 = vector.shape_cast %parallel_loop3A_266 : vector<16xi32> to vector<16x1xi32>
        %parallel_loop3A_268 = vector.shape_cast %parallel_loop3A_267 : vector<16x1xi32> to vector<16xi32>
        %parallel_loop3A_269 = tpu.dynamic_gather %parallel_loop3A_262#0[%parallel_loop3A_268] in [0] : vector<16xf32>, vector<16xi32> -> vector<16xf32>
        %parallel_loop3A_270 = arith.addf %parallel_loop3A_262#0, %parallel_loop3A_269 : vector<16xf32>
        %parallel_loop3A_271 = arith.constant 2 : i32
        %parallel_loop3A_272 = vector.broadcast %parallel_loop3A_271 : i32 to vector<16xi32>
        %parallel_loop3A_273 = arith.xori %parallel_loop3A_263, %parallel_loop3A_272 : vector<16xi32>
        %parallel_loop3A_274 = vector.shape_cast %parallel_loop3A_273 : vector<16xi32> to vector<16x1xi32>
        %parallel_loop3A_275 = vector.shape_cast %parallel_loop3A_274 : vector<16x1xi32> to vector<16xi32>
        %parallel_loop3A_276 = tpu.dynamic_gather %parallel_loop3A_270[%parallel_loop3A_275] in [0] : vector<16xf32>, vector<16xi32> -> vector<16xf32>
        %parallel_loop3A_277 = arith.addf %parallel_loop3A_270, %parallel_loop3A_276 : vector<16xf32>
        %parallel_loop3A_278 = arith.constant 4 : i32
        %parallel_loop3A_279 = vector.broadcast %parallel_loop3A_278 : i32 to vector<16xi32>
        %parallel_loop3A_280 = arith.xori %parallel_loop3A_263, %parallel_loop3A_279 : vector<16xi32>
        %parallel_loop3A_281 = vector.shape_cast %parallel_loop3A_280 : vector<16xi32> to vector<16x1xi32>
        %parallel_loop3A_282 = vector.shape_cast %parallel_loop3A_281 : vector<16x1xi32> to vector<16xi32>
        %parallel_loop3A_283 = tpu.dynamic_gather %parallel_loop3A_277[%parallel_loop3A_282] in [0] : vector<16xf32>, vector<16xi32> -> vector<16xf32>
        %parallel_loop3A_284 = arith.addf %parallel_loop3A_277, %parallel_loop3A_283 : vector<16xf32>
        %parallel_loop3A_285 = arith.constant 8 : i32
        %parallel_loop3A_286 = vector.broadcast %parallel_loop3A_285 : i32 to vector<16xi32>
        %parallel_loop3A_287 = arith.xori %parallel_loop3A_263, %parallel_loop3A_286 : vector<16xi32>
        %parallel_loop3A_288 = vector.shape_cast %parallel_loop3A_287 : vector<16xi32> to vector<16x1xi32>
        %parallel_loop3A_289 = vector.shape_cast %parallel_loop3A_288 : vector<16x1xi32> to vector<16xi32>
        %parallel_loop3A_290 = tpu.dynamic_gather %parallel_loop3A_284[%parallel_loop3A_289] in [0] : vector<16xf32>, vector<16xi32> -> vector<16xf32>
        %parallel_loop3A_291 = arith.addf %parallel_loop3A_284, %parallel_loop3A_290 : vector<16xf32>
        %parallel_loop3A_292 = vector.broadcast %scan3A : f32 to vector<16xf32>
        %parallel_loop3A_293 = arith.mulf %parallel_loop3A_291, %parallel_loop3A_292 : vector<16xf32>
        %parallel_loop3A_294 = tpu.iota {dimensions = array<i32: 0>} : vector<16xi32>
        %parallel_loop3A_295 = arith.constant 1 : i32
        %parallel_loop3A_296 = vector.broadcast %parallel_loop3A_295 : i32 to vector<16xi32>
        %parallel_loop3A_297 = arith.xori %parallel_loop3A_294, %parallel_loop3A_296 : vector<16xi32>
        %parallel_loop3A_298 = vector.shape_cast %parallel_loop3A_297 : vector<16xi32> to vector<16x1xi32>
        %parallel_loop3A_299 = vector.shape_cast %parallel_loop3A_298 : vector<16x1xi32> to vector<16xi32>
        %parallel_loop3A_300 = tpu.dynamic_gather %parallel_loop3A_262#4[%parallel_loop3A_299] in [0] : vector<16xf32>, vector<16xi32> -> vector<16xf32>
        %parallel_loop3A_301 = arith.addf %parallel_loop3A_262#4, %parallel_loop3A_300 : vector<16xf32>
        %parallel_loop3A_302 = arith.constant 2 : i32
        %parallel_loop3A_303 = vector.broadcast %parallel_loop3A_302 : i32 to vector<16xi32>
        %parallel_loop3A_304 = arith.xori %parallel_loop3A_294, %parallel_loop3A_303 : vector<16xi32>
        %parallel_loop3A_305 = vector.shape_cast %parallel_loop3A_304 : vector<16xi32> to vector<16x1xi32>
        %parallel_loop3A_306 = vector.shape_cast %parallel_loop3A_305 : vector<16x1xi32> to vector<16xi32>
        %parallel_loop3A_307 = tpu.dynamic_gather %parallel_loop3A_301[%parallel_loop3A_306] in [0] : vector<16xf32>, vector<16xi32> -> vector<16xf32>
        %parallel_loop3A_308 = arith.addf %parallel_loop3A_301, %parallel_loop3A_307 : vector<16xf32>
        %parallel_loop3A_309 = arith.constant 4 : i32
        %parallel_loop3A_310 = vector.broadcast %parallel_loop3A_309 : i32 to vector<16xi32>
        %parallel_loop3A_311 = arith.xori %parallel_loop3A_294, %parallel_loop3A_310 : vector<16xi32>
        %parallel_loop3A_312 = vector.shape_cast %parallel_loop3A_311 : vector<16xi32> to vector<16x1xi32>
        %parallel_loop3A_313 = vector.shape_cast %parallel_loop3A_312 : vector<16x1xi32> to vector<16xi32>
        %parallel_loop3A_314 = tpu.dynamic_gather %parallel_loop3A_308[%parallel_loop3A_313] in [0] : vector<16xf32>, vector<16xi32> -> vector<16xf32>
        %parallel_loop3A_315 = arith.addf %parallel_loop3A_308, %parallel_loop3A_314 : vector<16xf32>
        %parallel_loop3A_316 = arith.constant 8 : i32
        %parallel_loop3A_317 = vector.broadcast %parallel_loop3A_316 : i32 to vector<16xi32>
        %parallel_loop3A_318 = arith.xori %parallel_loop3A_294, %parallel_loop3A_317 : vector<16xi32>
        %parallel_loop3A_319 = vector.shape_cast %parallel_loop3A_318 : vector<16xi32> to vector<16x1xi32>
        %parallel_loop3A_320 = vector.shape_cast %parallel_loop3A_319 : vector<16x1xi32> to vector<16xi32>
        %parallel_loop3A_321 = tpu.dynamic_gather %parallel_loop3A_315[%parallel_loop3A_320] in [0] : vector<16xf32>, vector<16xi32> -> vector<16xf32>
        %parallel_loop3A_322 = arith.addf %parallel_loop3A_315, %parallel_loop3A_321 : vector<16xf32>
        %parallel_loop3A_323 = vector.broadcast %scan3A : f32 to vector<16xf32>
        %parallel_loop3A_324 = arith.mulf %parallel_loop3A_322, %parallel_loop3A_323 : vector<16xf32>
        %parallel_loop3A_325 = arith.mulf %parallel_loop3A_293, %parallel_loop3A_293 : vector<16xf32>
        %parallel_loop3A_326 = arith.subf %parallel_loop3A_324, %parallel_loop3A_325 : vector<16xf32>
        %parallel_loop3A_327 = arith.constant 9.99999996E-13 : f32
        %parallel_loop3A_328 = vector.broadcast %parallel_loop3A_327 : f32 to vector<16xf32>
        %parallel_loop3A_329 = arith.addf %parallel_loop3A_326, %parallel_loop3A_328 : vector<16xf32>
        %parallel_loop3A_330 = tpu.bitcast %parallel_loop3A_329 : vector<16xf32> -> vector<16xi32>
        %parallel_loop3A_331 = arith.constant 1 : i32
        %parallel_loop3A_332 = vector.broadcast %parallel_loop3A_331 : i32 to vector<16xi32>
        %parallel_loop3A_333 = arith.shrui %parallel_loop3A_330, %parallel_loop3A_332 : vector<16xi32>
        %parallel_loop3A_334 = arith.constant 1597463007 : i32
        %parallel_loop3A_335 = vector.broadcast %parallel_loop3A_334 : i32 to vector<16xi32>
        %parallel_loop3A_336 = arith.subi %parallel_loop3A_335, %parallel_loop3A_333 : vector<16xi32>
        %parallel_loop3A_337 = tpu.bitcast %parallel_loop3A_336 : vector<16xi32> -> vector<16xf32>
        %parallel_loop3A_338 = arith.constant 5.000000e-01 : f32
        %parallel_loop3A_339 = vector.broadcast %parallel_loop3A_338 : f32 to vector<16xf32>
        %parallel_loop3A_340 = arith.mulf %parallel_loop3A_339, %parallel_loop3A_329 : vector<16xf32>
        %parallel_loop3A_341 = arith.mulf %parallel_loop3A_340, %parallel_loop3A_337 : vector<16xf32>
        %parallel_loop3A_342 = arith.mulf %parallel_loop3A_341, %parallel_loop3A_337 : vector<16xf32>
        %parallel_loop3A_343 = arith.constant 1.500000e+00 : f32
        %parallel_loop3A_344 = vector.broadcast %parallel_loop3A_343 : f32 to vector<16xf32>
        %parallel_loop3A_345 = arith.subf %parallel_loop3A_344, %parallel_loop3A_342 : vector<16xf32>
        %parallel_loop3A_346 = arith.mulf %parallel_loop3A_337, %parallel_loop3A_345 : vector<16xf32>
        %parallel_loop3A_347 = arith.mulf %parallel_loop3A_340, %parallel_loop3A_346 : vector<16xf32>
        %parallel_loop3A_348 = arith.mulf %parallel_loop3A_347, %parallel_loop3A_346 : vector<16xf32>
        %parallel_loop3A_349 = arith.constant 1.500000e+00 : f32
        %parallel_loop3A_350 = vector.broadcast %parallel_loop3A_349 : f32 to vector<16xf32>
        %parallel_loop3A_351 = arith.subf %parallel_loop3A_350, %parallel_loop3A_348 : vector<16xf32>
        %parallel_loop3A_352 = arith.mulf %parallel_loop3A_346, %parallel_loop3A_351 : vector<16xf32>
        %parallel_loop3A_353 = arith.mulf %parallel_loop3A_340, %parallel_loop3A_352 : vector<16xf32>
        %parallel_loop3A_354 = arith.mulf %parallel_loop3A_353, %parallel_loop3A_352 : vector<16xf32>
        %parallel_loop3A_355 = arith.constant 1.500000e+00 : f32
        %parallel_loop3A_356 = vector.broadcast %parallel_loop3A_355 : f32 to vector<16xf32>
        %parallel_loop3A_357 = arith.subf %parallel_loop3A_356, %parallel_loop3A_354 : vector<16xf32>
        %parallel_loop3A_358 = arith.mulf %parallel_loop3A_352, %parallel_loop3A_357 : vector<16xf32>
        %parallel_loop3A_359 = tpu.iota {dimensions = array<i32: 0>} : vector<16xi32>
        %parallel_loop3A_360 = arith.constant 1 : i32
        %parallel_loop3A_361 = vector.broadcast %parallel_loop3A_360 : i32 to vector<16xi32>
        %parallel_loop3A_362 = arith.xori %parallel_loop3A_359, %parallel_loop3A_361 : vector<16xi32>
        %parallel_loop3A_363 = vector.shape_cast %parallel_loop3A_362 : vector<16xi32> to vector<16x1xi32>
        %parallel_loop3A_364 = vector.shape_cast %parallel_loop3A_363 : vector<16x1xi32> to vector<16xi32>
        %parallel_loop3A_365 = tpu.dynamic_gather %parallel_loop3A_262#1[%parallel_loop3A_364] in [0] : vector<16xf32>, vector<16xi32> -> vector<16xf32>
        %parallel_loop3A_366 = arith.addf %parallel_loop3A_262#1, %parallel_loop3A_365 : vector<16xf32>
        %parallel_loop3A_367 = arith.constant 2 : i32
        %parallel_loop3A_368 = vector.broadcast %parallel_loop3A_367 : i32 to vector<16xi32>
        %parallel_loop3A_369 = arith.xori %parallel_loop3A_359, %parallel_loop3A_368 : vector<16xi32>
        %parallel_loop3A_370 = vector.shape_cast %parallel_loop3A_369 : vector<16xi32> to vector<16x1xi32>
        %parallel_loop3A_371 = vector.shape_cast %parallel_loop3A_370 : vector<16x1xi32> to vector<16xi32>
        %parallel_loop3A_372 = tpu.dynamic_gather %parallel_loop3A_366[%parallel_loop3A_371] in [0] : vector<16xf32>, vector<16xi32> -> vector<16xf32>
        %parallel_loop3A_373 = arith.addf %parallel_loop3A_366, %parallel_loop3A_372 : vector<16xf32>
        %parallel_loop3A_374 = arith.constant 4 : i32
        %parallel_loop3A_375 = vector.broadcast %parallel_loop3A_374 : i32 to vector<16xi32>
        %parallel_loop3A_376 = arith.xori %parallel_loop3A_359, %parallel_loop3A_375 : vector<16xi32>
        %parallel_loop3A_377 = vector.shape_cast %parallel_loop3A_376 : vector<16xi32> to vector<16x1xi32>
        %parallel_loop3A_378 = vector.shape_cast %parallel_loop3A_377 : vector<16x1xi32> to vector<16xi32>
        %parallel_loop3A_379 = tpu.dynamic_gather %parallel_loop3A_373[%parallel_loop3A_378] in [0] : vector<16xf32>, vector<16xi32> -> vector<16xf32>
        %parallel_loop3A_380 = arith.addf %parallel_loop3A_373, %parallel_loop3A_379 : vector<16xf32>
        %parallel_loop3A_381 = arith.constant 8 : i32
        %parallel_loop3A_382 = vector.broadcast %parallel_loop3A_381 : i32 to vector<16xi32>
        %parallel_loop3A_383 = arith.xori %parallel_loop3A_359, %parallel_loop3A_382 : vector<16xi32>
        %parallel_loop3A_384 = vector.shape_cast %parallel_loop3A_383 : vector<16xi32> to vector<16x1xi32>
        %parallel_loop3A_385 = vector.shape_cast %parallel_loop3A_384 : vector<16x1xi32> to vector<16xi32>
        %parallel_loop3A_386 = tpu.dynamic_gather %parallel_loop3A_380[%parallel_loop3A_385] in [0] : vector<16xf32>, vector<16xi32> -> vector<16xf32>
        %parallel_loop3A_387 = arith.addf %parallel_loop3A_380, %parallel_loop3A_386 : vector<16xf32>
        %parallel_loop3A_388 = vector.broadcast %scan3A : f32 to vector<16xf32>
        %parallel_loop3A_389 = arith.mulf %parallel_loop3A_387, %parallel_loop3A_388 : vector<16xf32>
        %parallel_loop3A_390 = tpu.iota {dimensions = array<i32: 0>} : vector<16xi32>
        %parallel_loop3A_391 = arith.constant 1 : i32
        %parallel_loop3A_392 = vector.broadcast %parallel_loop3A_391 : i32 to vector<16xi32>
        %parallel_loop3A_393 = arith.xori %parallel_loop3A_390, %parallel_loop3A_392 : vector<16xi32>
        %parallel_loop3A_394 = vector.shape_cast %parallel_loop3A_393 : vector<16xi32> to vector<16x1xi32>
        %parallel_loop3A_395 = vector.shape_cast %parallel_loop3A_394 : vector<16x1xi32> to vector<16xi32>
        %parallel_loop3A_396 = tpu.dynamic_gather %parallel_loop3A_262#5[%parallel_loop3A_395] in [0] : vector<16xf32>, vector<16xi32> -> vector<16xf32>
        %parallel_loop3A_397 = arith.addf %parallel_loop3A_262#5, %parallel_loop3A_396 : vector<16xf32>
        %parallel_loop3A_398 = arith.constant 2 : i32
        %parallel_loop3A_399 = vector.broadcast %parallel_loop3A_398 : i32 to vector<16xi32>
        %parallel_loop3A_400 = arith.xori %parallel_loop3A_390, %parallel_loop3A_399 : vector<16xi32>
        %parallel_loop3A_401 = vector.shape_cast %parallel_loop3A_400 : vector<16xi32> to vector<16x1xi32>
        %parallel_loop3A_402 = vector.shape_cast %parallel_loop3A_401 : vector<16x1xi32> to vector<16xi32>
        %parallel_loop3A_403 = tpu.dynamic_gather %parallel_loop3A_397[%parallel_loop3A_402] in [0] : vector<16xf32>, vector<16xi32> -> vector<16xf32>
        %parallel_loop3A_404 = arith.addf %parallel_loop3A_397, %parallel_loop3A_403 : vector<16xf32>
        %parallel_loop3A_405 = arith.constant 4 : i32
        %parallel_loop3A_406 = vector.broadcast %parallel_loop3A_405 : i32 to vector<16xi32>
        %parallel_loop3A_407 = arith.xori %parallel_loop3A_390, %parallel_loop3A_406 : vector<16xi32>
        %parallel_loop3A_408 = vector.shape_cast %parallel_loop3A_407 : vector<16xi32> to vector<16x1xi32>
        %parallel_loop3A_409 = vector.shape_cast %parallel_loop3A_408 : vector<16x1xi32> to vector<16xi32>
        %parallel_loop3A_410 = tpu.dynamic_gather %parallel_loop3A_404[%parallel_loop3A_409] in [0] : vector<16xf32>, vector<16xi32> -> vector<16xf32>
        %parallel_loop3A_411 = arith.addf %parallel_loop3A_404, %parallel_loop3A_410 : vector<16xf32>
        %parallel_loop3A_412 = arith.constant 8 : i32
        %parallel_loop3A_413 = vector.broadcast %parallel_loop3A_412 : i32 to vector<16xi32>
        %parallel_loop3A_414 = arith.xori %parallel_loop3A_390, %parallel_loop3A_413 : vector<16xi32>
        %parallel_loop3A_415 = vector.shape_cast %parallel_loop3A_414 : vector<16xi32> to vector<16x1xi32>
        %parallel_loop3A_416 = vector.shape_cast %parallel_loop3A_415 : vector<16x1xi32> to vector<16xi32>
        %parallel_loop3A_417 = tpu.dynamic_gather %parallel_loop3A_411[%parallel_loop3A_416] in [0] : vector<16xf32>, vector<16xi32> -> vector<16xf32>
        %parallel_loop3A_418 = arith.addf %parallel_loop3A_411, %parallel_loop3A_417 : vector<16xf32>
        %parallel_loop3A_419 = vector.broadcast %scan3A : f32 to vector<16xf32>
        %parallel_loop3A_420 = arith.mulf %parallel_loop3A_418, %parallel_loop3A_419 : vector<16xf32>
        %parallel_loop3A_421 = arith.mulf %parallel_loop3A_389, %parallel_loop3A_389 : vector<16xf32>
        %parallel_loop3A_422 = arith.subf %parallel_loop3A_420, %parallel_loop3A_421 : vector<16xf32>
        %parallel_loop3A_423 = arith.constant 9.99999996E-13 : f32
        %parallel_loop3A_424 = vector.broadcast %parallel_loop3A_423 : f32 to vector<16xf32>
        %parallel_loop3A_425 = arith.addf %parallel_loop3A_422, %parallel_loop3A_424 : vector<16xf32>
        %parallel_loop3A_426 = tpu.bitcast %parallel_loop3A_425 : vector<16xf32> -> vector<16xi32>
        %parallel_loop3A_427 = arith.constant 1 : i32
        %parallel_loop3A_428 = vector.broadcast %parallel_loop3A_427 : i32 to vector<16xi32>
        %parallel_loop3A_429 = arith.shrui %parallel_loop3A_426, %parallel_loop3A_428 : vector<16xi32>
        %parallel_loop3A_430 = arith.constant 1597463007 : i32
        %parallel_loop3A_431 = vector.broadcast %parallel_loop3A_430 : i32 to vector<16xi32>
        %parallel_loop3A_432 = arith.subi %parallel_loop3A_431, %parallel_loop3A_429 : vector<16xi32>
        %parallel_loop3A_433 = tpu.bitcast %parallel_loop3A_432 : vector<16xi32> -> vector<16xf32>
        %parallel_loop3A_434 = arith.constant 5.000000e-01 : f32
        %parallel_loop3A_435 = vector.broadcast %parallel_loop3A_434 : f32 to vector<16xf32>
        %parallel_loop3A_436 = arith.mulf %parallel_loop3A_435, %parallel_loop3A_425 : vector<16xf32>
        %parallel_loop3A_437 = arith.mulf %parallel_loop3A_436, %parallel_loop3A_433 : vector<16xf32>
        %parallel_loop3A_438 = arith.mulf %parallel_loop3A_437, %parallel_loop3A_433 : vector<16xf32>
        %parallel_loop3A_439 = arith.constant 1.500000e+00 : f32
        %parallel_loop3A_440 = vector.broadcast %parallel_loop3A_439 : f32 to vector<16xf32>
        %parallel_loop3A_441 = arith.subf %parallel_loop3A_440, %parallel_loop3A_438 : vector<16xf32>
        %parallel_loop3A_442 = arith.mulf %parallel_loop3A_433, %parallel_loop3A_441 : vector<16xf32>
        %parallel_loop3A_443 = arith.mulf %parallel_loop3A_436, %parallel_loop3A_442 : vector<16xf32>
        %parallel_loop3A_444 = arith.mulf %parallel_loop3A_443, %parallel_loop3A_442 : vector<16xf32>
        %parallel_loop3A_445 = arith.constant 1.500000e+00 : f32
        %parallel_loop3A_446 = vector.broadcast %parallel_loop3A_445 : f32 to vector<16xf32>
        %parallel_loop3A_447 = arith.subf %parallel_loop3A_446, %parallel_loop3A_444 : vector<16xf32>
        %parallel_loop3A_448 = arith.mulf %parallel_loop3A_442, %parallel_loop3A_447 : vector<16xf32>
        %parallel_loop3A_449 = arith.mulf %parallel_loop3A_436, %parallel_loop3A_448 : vector<16xf32>
        %parallel_loop3A_450 = arith.mulf %parallel_loop3A_449, %parallel_loop3A_448 : vector<16xf32>
        %parallel_loop3A_451 = arith.constant 1.500000e+00 : f32
        %parallel_loop3A_452 = vector.broadcast %parallel_loop3A_451 : f32 to vector<16xf32>
        %parallel_loop3A_453 = arith.subf %parallel_loop3A_452, %parallel_loop3A_450 : vector<16xf32>
        %parallel_loop3A_454 = arith.mulf %parallel_loop3A_448, %parallel_loop3A_453 : vector<16xf32>
        %parallel_loop3A_455 = tpu.iota {dimensions = array<i32: 0>} : vector<16xi32>
        %parallel_loop3A_456 = arith.constant 1 : i32
        %parallel_loop3A_457 = vector.broadcast %parallel_loop3A_456 : i32 to vector<16xi32>
        %parallel_loop3A_458 = arith.xori %parallel_loop3A_455, %parallel_loop3A_457 : vector<16xi32>
        %parallel_loop3A_459 = vector.shape_cast %parallel_loop3A_458 : vector<16xi32> to vector<16x1xi32>
        %parallel_loop3A_460 = vector.shape_cast %parallel_loop3A_459 : vector<16x1xi32> to vector<16xi32>
        %parallel_loop3A_461 = tpu.dynamic_gather %parallel_loop3A_262#2[%parallel_loop3A_460] in [0] : vector<16xf32>, vector<16xi32> -> vector<16xf32>
        %parallel_loop3A_462 = arith.addf %parallel_loop3A_262#2, %parallel_loop3A_461 : vector<16xf32>
        %parallel_loop3A_463 = arith.constant 2 : i32
        %parallel_loop3A_464 = vector.broadcast %parallel_loop3A_463 : i32 to vector<16xi32>
        %parallel_loop3A_465 = arith.xori %parallel_loop3A_455, %parallel_loop3A_464 : vector<16xi32>
        %parallel_loop3A_466 = vector.shape_cast %parallel_loop3A_465 : vector<16xi32> to vector<16x1xi32>
        %parallel_loop3A_467 = vector.shape_cast %parallel_loop3A_466 : vector<16x1xi32> to vector<16xi32>
        %parallel_loop3A_468 = tpu.dynamic_gather %parallel_loop3A_462[%parallel_loop3A_467] in [0] : vector<16xf32>, vector<16xi32> -> vector<16xf32>
        %parallel_loop3A_469 = arith.addf %parallel_loop3A_462, %parallel_loop3A_468 : vector<16xf32>
        %parallel_loop3A_470 = arith.constant 4 : i32
        %parallel_loop3A_471 = vector.broadcast %parallel_loop3A_470 : i32 to vector<16xi32>
        %parallel_loop3A_472 = arith.xori %parallel_loop3A_455, %parallel_loop3A_471 : vector<16xi32>
        %parallel_loop3A_473 = vector.shape_cast %parallel_loop3A_472 : vector<16xi32> to vector<16x1xi32>
        %parallel_loop3A_474 = vector.shape_cast %parallel_loop3A_473 : vector<16x1xi32> to vector<16xi32>
        %parallel_loop3A_475 = tpu.dynamic_gather %parallel_loop3A_469[%parallel_loop3A_474] in [0] : vector<16xf32>, vector<16xi32> -> vector<16xf32>
        %parallel_loop3A_476 = arith.addf %parallel_loop3A_469, %parallel_loop3A_475 : vector<16xf32>
        %parallel_loop3A_477 = arith.constant 8 : i32
        %parallel_loop3A_478 = vector.broadcast %parallel_loop3A_477 : i32 to vector<16xi32>
        %parallel_loop3A_479 = arith.xori %parallel_loop3A_455, %parallel_loop3A_478 : vector<16xi32>
        %parallel_loop3A_480 = vector.shape_cast %parallel_loop3A_479 : vector<16xi32> to vector<16x1xi32>
        %parallel_loop3A_481 = vector.shape_cast %parallel_loop3A_480 : vector<16x1xi32> to vector<16xi32>
        %parallel_loop3A_482 = tpu.dynamic_gather %parallel_loop3A_476[%parallel_loop3A_481] in [0] : vector<16xf32>, vector<16xi32> -> vector<16xf32>
        %parallel_loop3A_483 = arith.addf %parallel_loop3A_476, %parallel_loop3A_482 : vector<16xf32>
        %parallel_loop3A_484 = vector.broadcast %scan3A : f32 to vector<16xf32>
        %parallel_loop3A_485 = arith.mulf %parallel_loop3A_483, %parallel_loop3A_484 : vector<16xf32>
        %parallel_loop3A_486 = tpu.iota {dimensions = array<i32: 0>} : vector<16xi32>
        %parallel_loop3A_487 = arith.constant 1 : i32
        %parallel_loop3A_488 = vector.broadcast %parallel_loop3A_487 : i32 to vector<16xi32>
        %parallel_loop3A_489 = arith.xori %parallel_loop3A_486, %parallel_loop3A_488 : vector<16xi32>
        %parallel_loop3A_490 = vector.shape_cast %parallel_loop3A_489 : vector<16xi32> to vector<16x1xi32>
        %parallel_loop3A_491 = vector.shape_cast %parallel_loop3A_490 : vector<16x1xi32> to vector<16xi32>
        %parallel_loop3A_492 = tpu.dynamic_gather %parallel_loop3A_262#6[%parallel_loop3A_491] in [0] : vector<16xf32>, vector<16xi32> -> vector<16xf32>
        %parallel_loop3A_493 = arith.addf %parallel_loop3A_262#6, %parallel_loop3A_492 : vector<16xf32>
        %parallel_loop3A_494 = arith.constant 2 : i32
        %parallel_loop3A_495 = vector.broadcast %parallel_loop3A_494 : i32 to vector<16xi32>
        %parallel_loop3A_496 = arith.xori %parallel_loop3A_486, %parallel_loop3A_495 : vector<16xi32>
        %parallel_loop3A_497 = vector.shape_cast %parallel_loop3A_496 : vector<16xi32> to vector<16x1xi32>
        %parallel_loop3A_498 = vector.shape_cast %parallel_loop3A_497 : vector<16x1xi32> to vector<16xi32>
        %parallel_loop3A_499 = tpu.dynamic_gather %parallel_loop3A_493[%parallel_loop3A_498] in [0] : vector<16xf32>, vector<16xi32> -> vector<16xf32>
        %parallel_loop3A_500 = arith.addf %parallel_loop3A_493, %parallel_loop3A_499 : vector<16xf32>
        %parallel_loop3A_501 = arith.constant 4 : i32
        %parallel_loop3A_502 = vector.broadcast %parallel_loop3A_501 : i32 to vector<16xi32>
        %parallel_loop3A_503 = arith.xori %parallel_loop3A_486, %parallel_loop3A_502 : vector<16xi32>
        %parallel_loop3A_504 = vector.shape_cast %parallel_loop3A_503 : vector<16xi32> to vector<16x1xi32>
        %parallel_loop3A_505 = vector.shape_cast %parallel_loop3A_504 : vector<16x1xi32> to vector<16xi32>
        %parallel_loop3A_506 = tpu.dynamic_gather %parallel_loop3A_500[%parallel_loop3A_505] in [0] : vector<16xf32>, vector<16xi32> -> vector<16xf32>
        %parallel_loop3A_507 = arith.addf %parallel_loop3A_500, %parallel_loop3A_506 : vector<16xf32>
        %parallel_loop3A_508 = arith.constant 8 : i32
        %parallel_loop3A_509 = vector.broadcast %parallel_loop3A_508 : i32 to vector<16xi32>
        %parallel_loop3A_510 = arith.xori %parallel_loop3A_486, %parallel_loop3A_509 : vector<16xi32>
        %parallel_loop3A_511 = vector.shape_cast %parallel_loop3A_510 : vector<16xi32> to vector<16x1xi32>
        %parallel_loop3A_512 = vector.shape_cast %parallel_loop3A_511 : vector<16x1xi32> to vector<16xi32>
        %parallel_loop3A_513 = tpu.dynamic_gather %parallel_loop3A_507[%parallel_loop3A_512] in [0] : vector<16xf32>, vector<16xi32> -> vector<16xf32>
        %parallel_loop3A_514 = arith.addf %parallel_loop3A_507, %parallel_loop3A_513 : vector<16xf32>
        %parallel_loop3A_515 = vector.broadcast %scan3A : f32 to vector<16xf32>
        %parallel_loop3A_516 = arith.mulf %parallel_loop3A_514, %parallel_loop3A_515 : vector<16xf32>
        %parallel_loop3A_517 = arith.mulf %parallel_loop3A_485, %parallel_loop3A_485 : vector<16xf32>
        %parallel_loop3A_518 = arith.subf %parallel_loop3A_516, %parallel_loop3A_517 : vector<16xf32>
        %parallel_loop3A_519 = arith.constant 9.99999996E-13 : f32
        %parallel_loop3A_520 = vector.broadcast %parallel_loop3A_519 : f32 to vector<16xf32>
        %parallel_loop3A_521 = arith.addf %parallel_loop3A_518, %parallel_loop3A_520 : vector<16xf32>
        %parallel_loop3A_522 = tpu.bitcast %parallel_loop3A_521 : vector<16xf32> -> vector<16xi32>
        %parallel_loop3A_523 = arith.constant 1 : i32
        %parallel_loop3A_524 = vector.broadcast %parallel_loop3A_523 : i32 to vector<16xi32>
        %parallel_loop3A_525 = arith.shrui %parallel_loop3A_522, %parallel_loop3A_524 : vector<16xi32>
        %parallel_loop3A_526 = arith.constant 1597463007 : i32
        %parallel_loop3A_527 = vector.broadcast %parallel_loop3A_526 : i32 to vector<16xi32>
        %parallel_loop3A_528 = arith.subi %parallel_loop3A_527, %parallel_loop3A_525 : vector<16xi32>
        %parallel_loop3A_529 = tpu.bitcast %parallel_loop3A_528 : vector<16xi32> -> vector<16xf32>
        %parallel_loop3A_530 = arith.constant 5.000000e-01 : f32
        %parallel_loop3A_531 = vector.broadcast %parallel_loop3A_530 : f32 to vector<16xf32>
        %parallel_loop3A_532 = arith.mulf %parallel_loop3A_531, %parallel_loop3A_521 : vector<16xf32>
        %parallel_loop3A_533 = arith.mulf %parallel_loop3A_532, %parallel_loop3A_529 : vector<16xf32>
        %parallel_loop3A_534 = arith.mulf %parallel_loop3A_533, %parallel_loop3A_529 : vector<16xf32>
        %parallel_loop3A_535 = arith.constant 1.500000e+00 : f32
        %parallel_loop3A_536 = vector.broadcast %parallel_loop3A_535 : f32 to vector<16xf32>
        %parallel_loop3A_537 = arith.subf %parallel_loop3A_536, %parallel_loop3A_534 : vector<16xf32>
        %parallel_loop3A_538 = arith.mulf %parallel_loop3A_529, %parallel_loop3A_537 : vector<16xf32>
        %parallel_loop3A_539 = arith.mulf %parallel_loop3A_532, %parallel_loop3A_538 : vector<16xf32>
        %parallel_loop3A_540 = arith.mulf %parallel_loop3A_539, %parallel_loop3A_538 : vector<16xf32>
        %parallel_loop3A_541 = arith.constant 1.500000e+00 : f32
        %parallel_loop3A_542 = vector.broadcast %parallel_loop3A_541 : f32 to vector<16xf32>
        %parallel_loop3A_543 = arith.subf %parallel_loop3A_542, %parallel_loop3A_540 : vector<16xf32>
        %parallel_loop3A_544 = arith.mulf %parallel_loop3A_538, %parallel_loop3A_543 : vector<16xf32>
        %parallel_loop3A_545 = arith.mulf %parallel_loop3A_532, %parallel_loop3A_544 : vector<16xf32>
        %parallel_loop3A_546 = arith.mulf %parallel_loop3A_545, %parallel_loop3A_544 : vector<16xf32>
        %parallel_loop3A_547 = arith.constant 1.500000e+00 : f32
        %parallel_loop3A_548 = vector.broadcast %parallel_loop3A_547 : f32 to vector<16xf32>
        %parallel_loop3A_549 = arith.subf %parallel_loop3A_548, %parallel_loop3A_546 : vector<16xf32>
        %parallel_loop3A_550 = arith.mulf %parallel_loop3A_544, %parallel_loop3A_549 : vector<16xf32>
        %parallel_loop3A_551 = tpu.iota {dimensions = array<i32: 0>} : vector<16xi32>
        %parallel_loop3A_552 = arith.constant 1 : i32
        %parallel_loop3A_553 = vector.broadcast %parallel_loop3A_552 : i32 to vector<16xi32>
        %parallel_loop3A_554 = arith.xori %parallel_loop3A_551, %parallel_loop3A_553 : vector<16xi32>
        %parallel_loop3A_555 = vector.shape_cast %parallel_loop3A_554 : vector<16xi32> to vector<16x1xi32>
        %parallel_loop3A_556 = vector.shape_cast %parallel_loop3A_555 : vector<16x1xi32> to vector<16xi32>
        %parallel_loop3A_557 = tpu.dynamic_gather %parallel_loop3A_262#3[%parallel_loop3A_556] in [0] : vector<16xf32>, vector<16xi32> -> vector<16xf32>
        %parallel_loop3A_558 = arith.addf %parallel_loop3A_262#3, %parallel_loop3A_557 : vector<16xf32>
        %parallel_loop3A_559 = arith.constant 2 : i32
        %parallel_loop3A_560 = vector.broadcast %parallel_loop3A_559 : i32 to vector<16xi32>
        %parallel_loop3A_561 = arith.xori %parallel_loop3A_551, %parallel_loop3A_560 : vector<16xi32>
        %parallel_loop3A_562 = vector.shape_cast %parallel_loop3A_561 : vector<16xi32> to vector<16x1xi32>
        %parallel_loop3A_563 = vector.shape_cast %parallel_loop3A_562 : vector<16x1xi32> to vector<16xi32>
        %parallel_loop3A_564 = tpu.dynamic_gather %parallel_loop3A_558[%parallel_loop3A_563] in [0] : vector<16xf32>, vector<16xi32> -> vector<16xf32>
        %parallel_loop3A_565 = arith.addf %parallel_loop3A_558, %parallel_loop3A_564 : vector<16xf32>
        %parallel_loop3A_566 = arith.constant 4 : i32
        %parallel_loop3A_567 = vector.broadcast %parallel_loop3A_566 : i32 to vector<16xi32>
        %parallel_loop3A_568 = arith.xori %parallel_loop3A_551, %parallel_loop3A_567 : vector<16xi32>
        %parallel_loop3A_569 = vector.shape_cast %parallel_loop3A_568 : vector<16xi32> to vector<16x1xi32>
        %parallel_loop3A_570 = vector.shape_cast %parallel_loop3A_569 : vector<16x1xi32> to vector<16xi32>
        %parallel_loop3A_571 = tpu.dynamic_gather %parallel_loop3A_565[%parallel_loop3A_570] in [0] : vector<16xf32>, vector<16xi32> -> vector<16xf32>
        %parallel_loop3A_572 = arith.addf %parallel_loop3A_565, %parallel_loop3A_571 : vector<16xf32>
        %parallel_loop3A_573 = arith.constant 8 : i32
        %parallel_loop3A_574 = vector.broadcast %parallel_loop3A_573 : i32 to vector<16xi32>
        %parallel_loop3A_575 = arith.xori %parallel_loop3A_551, %parallel_loop3A_574 : vector<16xi32>
        %parallel_loop3A_576 = vector.shape_cast %parallel_loop3A_575 : vector<16xi32> to vector<16x1xi32>
        %parallel_loop3A_577 = vector.shape_cast %parallel_loop3A_576 : vector<16x1xi32> to vector<16xi32>
        %parallel_loop3A_578 = tpu.dynamic_gather %parallel_loop3A_572[%parallel_loop3A_577] in [0] : vector<16xf32>, vector<16xi32> -> vector<16xf32>
        %parallel_loop3A_579 = arith.addf %parallel_loop3A_572, %parallel_loop3A_578 : vector<16xf32>
        %parallel_loop3A_580 = vector.broadcast %scan3A : f32 to vector<16xf32>
        %parallel_loop3A_581 = arith.mulf %parallel_loop3A_579, %parallel_loop3A_580 : vector<16xf32>
        %parallel_loop3A_582 = tpu.iota {dimensions = array<i32: 0>} : vector<16xi32>
        %parallel_loop3A_583 = arith.constant 1 : i32
        %parallel_loop3A_584 = vector.broadcast %parallel_loop3A_583 : i32 to vector<16xi32>
        %parallel_loop3A_585 = arith.xori %parallel_loop3A_582, %parallel_loop3A_584 : vector<16xi32>
        %parallel_loop3A_586 = vector.shape_cast %parallel_loop3A_585 : vector<16xi32> to vector<16x1xi32>
        %parallel_loop3A_587 = vector.shape_cast %parallel_loop3A_586 : vector<16x1xi32> to vector<16xi32>
        %parallel_loop3A_588 = tpu.dynamic_gather %parallel_loop3A_262#7[%parallel_loop3A_587] in [0] : vector<16xf32>, vector<16xi32> -> vector<16xf32>
        %parallel_loop3A_589 = arith.addf %parallel_loop3A_262#7, %parallel_loop3A_588 : vector<16xf32>
        %parallel_loop3A_590 = arith.constant 2 : i32
        %parallel_loop3A_591 = vector.broadcast %parallel_loop3A_590 : i32 to vector<16xi32>
        %parallel_loop3A_592 = arith.xori %parallel_loop3A_582, %parallel_loop3A_591 : vector<16xi32>
        %parallel_loop3A_593 = vector.shape_cast %parallel_loop3A_592 : vector<16xi32> to vector<16x1xi32>
        %parallel_loop3A_594 = vector.shape_cast %parallel_loop3A_593 : vector<16x1xi32> to vector<16xi32>
        %parallel_loop3A_595 = tpu.dynamic_gather %parallel_loop3A_589[%parallel_loop3A_594] in [0] : vector<16xf32>, vector<16xi32> -> vector<16xf32>
        %parallel_loop3A_596 = arith.addf %parallel_loop3A_589, %parallel_loop3A_595 : vector<16xf32>
        %parallel_loop3A_597 = arith.constant 4 : i32
        %parallel_loop3A_598 = vector.broadcast %parallel_loop3A_597 : i32 to vector<16xi32>
        %parallel_loop3A_599 = arith.xori %parallel_loop3A_582, %parallel_loop3A_598 : vector<16xi32>
        %parallel_loop3A_600 = vector.shape_cast %parallel_loop3A_599 : vector<16xi32> to vector<16x1xi32>
        %parallel_loop3A_601 = vector.shape_cast %parallel_loop3A_600 : vector<16x1xi32> to vector<16xi32>
        %parallel_loop3A_602 = tpu.dynamic_gather %parallel_loop3A_596[%parallel_loop3A_601] in [0] : vector<16xf32>, vector<16xi32> -> vector<16xf32>
        %parallel_loop3A_603 = arith.addf %parallel_loop3A_596, %parallel_loop3A_602 : vector<16xf32>
        %parallel_loop3A_604 = arith.constant 8 : i32
        %parallel_loop3A_605 = vector.broadcast %parallel_loop3A_604 : i32 to vector<16xi32>
        %parallel_loop3A_606 = arith.xori %parallel_loop3A_582, %parallel_loop3A_605 : vector<16xi32>
        %parallel_loop3A_607 = vector.shape_cast %parallel_loop3A_606 : vector<16xi32> to vector<16x1xi32>
        %parallel_loop3A_608 = vector.shape_cast %parallel_loop3A_607 : vector<16x1xi32> to vector<16xi32>
        %parallel_loop3A_609 = tpu.dynamic_gather %parallel_loop3A_603[%parallel_loop3A_608] in [0] : vector<16xf32>, vector<16xi32> -> vector<16xf32>
        %parallel_loop3A_610 = arith.addf %parallel_loop3A_603, %parallel_loop3A_609 : vector<16xf32>
        %parallel_loop3A_611 = vector.broadcast %scan3A : f32 to vector<16xf32>
        %parallel_loop3A_612 = arith.mulf %parallel_loop3A_610, %parallel_loop3A_611 : vector<16xf32>
        %parallel_loop3A_613 = arith.mulf %parallel_loop3A_581, %parallel_loop3A_581 : vector<16xf32>
        %parallel_loop3A_614 = arith.subf %parallel_loop3A_612, %parallel_loop3A_613 : vector<16xf32>
        %parallel_loop3A_615 = arith.constant 9.99999996E-13 : f32
        %parallel_loop3A_616 = vector.broadcast %parallel_loop3A_615 : f32 to vector<16xf32>
        %parallel_loop3A_617 = arith.addf %parallel_loop3A_614, %parallel_loop3A_616 : vector<16xf32>
        %parallel_loop3A_618 = tpu.bitcast %parallel_loop3A_617 : vector<16xf32> -> vector<16xi32>
        %parallel_loop3A_619 = arith.constant 1 : i32
        %parallel_loop3A_620 = vector.broadcast %parallel_loop3A_619 : i32 to vector<16xi32>
        %parallel_loop3A_621 = arith.shrui %parallel_loop3A_618, %parallel_loop3A_620 : vector<16xi32>
        %parallel_loop3A_622 = arith.constant 1597463007 : i32
        %parallel_loop3A_623 = vector.broadcast %parallel_loop3A_622 : i32 to vector<16xi32>
        %parallel_loop3A_624 = arith.subi %parallel_loop3A_623, %parallel_loop3A_621 : vector<16xi32>
        %parallel_loop3A_625 = tpu.bitcast %parallel_loop3A_624 : vector<16xi32> -> vector<16xf32>
        %parallel_loop3A_626 = arith.constant 5.000000e-01 : f32
        %parallel_loop3A_627 = vector.broadcast %parallel_loop3A_626 : f32 to vector<16xf32>
        %parallel_loop3A_628 = arith.mulf %parallel_loop3A_627, %parallel_loop3A_617 : vector<16xf32>
        %parallel_loop3A_629 = arith.mulf %parallel_loop3A_628, %parallel_loop3A_625 : vector<16xf32>
        %parallel_loop3A_630 = arith.mulf %parallel_loop3A_629, %parallel_loop3A_625 : vector<16xf32>
        %parallel_loop3A_631 = arith.constant 1.500000e+00 : f32
        %parallel_loop3A_632 = vector.broadcast %parallel_loop3A_631 : f32 to vector<16xf32>
        %parallel_loop3A_633 = arith.subf %parallel_loop3A_632, %parallel_loop3A_630 : vector<16xf32>
        %parallel_loop3A_634 = arith.mulf %parallel_loop3A_625, %parallel_loop3A_633 : vector<16xf32>
        %parallel_loop3A_635 = arith.mulf %parallel_loop3A_628, %parallel_loop3A_634 : vector<16xf32>
        %parallel_loop3A_636 = arith.mulf %parallel_loop3A_635, %parallel_loop3A_634 : vector<16xf32>
        %parallel_loop3A_637 = arith.constant 1.500000e+00 : f32
        %parallel_loop3A_638 = vector.broadcast %parallel_loop3A_637 : f32 to vector<16xf32>
        %parallel_loop3A_639 = arith.subf %parallel_loop3A_638, %parallel_loop3A_636 : vector<16xf32>
        %parallel_loop3A_640 = arith.mulf %parallel_loop3A_634, %parallel_loop3A_639 : vector<16xf32>
        %parallel_loop3A_641 = arith.mulf %parallel_loop3A_628, %parallel_loop3A_640 : vector<16xf32>
        %parallel_loop3A_642 = arith.mulf %parallel_loop3A_641, %parallel_loop3A_640 : vector<16xf32>
        %parallel_loop3A_643 = arith.constant 1.500000e+00 : f32
        %parallel_loop3A_644 = vector.broadcast %parallel_loop3A_643 : f32 to vector<16xf32>
        %parallel_loop3A_645 = arith.subf %parallel_loop3A_644, %parallel_loop3A_642 : vector<16xf32>
        %parallel_loop3A_646 = arith.mulf %parallel_loop3A_640, %parallel_loop3A_645 : vector<16xf32>
        %parallel_loop3A_647 = arith.constant 0 : i32
        %parallel_loop3A_648 = arith.constant 64 : i32
        %parallel_loop3A_649 = arith.constant 1 : i32
        scf.for %parallel_loop3A_650 = %parallel_loop3A_647 to %parallel_loop3A_648 step %parallel_loop3A_649  : i32 {
          %parallel_loop3A_651 = arith.constant 16 : i32
          %parallel_loop3A_652 = arith.muli %parallel_loop3A_650, %parallel_loop3A_651 : i32
          %parallel_loop3A_653 = arith.index_cast %parallel_loop3A_652 : i32 to index
          %parallel_loop3A_654 = tpu.vector_load %arg11[%parallel_loop3A_653] {strides = array<i32>} : memref<1024xf32, #tpu.memory_space<vmem>>, vector<16xf32>,
          %parallel_loop3A_655 = vector.shape_cast %parallel_loop3A_654 : vector<16xf32> to vector<16xf32>
          %parallel_loop3A_656 = arith.constant 16 : i32
          %parallel_loop3A_657 = arith.muli %parallel_loop3A_650, %parallel_loop3A_656 : i32
          %parallel_loop3A_658 = arith.index_cast %parallel_loop3A_657 : i32 to index
          %parallel_loop3A_659 = tpu.vector_load %arg12[%parallel_loop3A_658] {strides = array<i32>} : memref<1024xf32, #tpu.memory_space<vmem>>, vector<16xf32>,
          %parallel_loop3A_660 = vector.shape_cast %parallel_loop3A_659 : vector<16xf32> to vector<16xf32>
          %parallel_loop3A_661 = arith.mulf %parallel_loop3A_358, %parallel_loop3A_655 : vector<16xf32>
          %parallel_loop3A_662 = arith.mulf %parallel_loop3A_293, %parallel_loop3A_661 : vector<16xf32>
          %parallel_loop3A_663 = arith.subf %parallel_loop3A_660, %parallel_loop3A_662 : vector<16xf32>
          %parallel_loop3A_664 = arith.constant 0 : i32
          %parallel_loop3A_665 = arith.addi %parallel_loop3A_253, %parallel_loop3A_664 : i32
          %parallel_loop3A_666 = arith.constant 16 : i32
          %parallel_loop3A_667 = arith.muli %parallel_loop3A_650, %parallel_loop3A_666 : i32
          %parallel_loop3A_668 = arith.index_cast %parallel_loop3A_665 : i32 to index
          %parallel_loop3A_669 = arith.index_cast %parallel_loop3A_667 : i32 to index
          %parallel_loop3A_670 = tpu.vector_load %arg9[%parallel_loop3A_668, %parallel_loop3A_669] {strides = array<i32>} : memref<64x1024xf32, #tpu.memory_space<vmem>>, vector<1x16xf32>,
          %parallel_loop3A_671 = vector.shape_cast %parallel_loop3A_670 : vector<1x16xf32> to vector<16xf32>
          %parallel_loop3A_672 = arith.constant 0 : i32
          %parallel_loop3A_673 = arith.addi %parallel_loop3A_256, %parallel_loop3A_672 : i32
          %parallel_loop3A_674 = arith.constant 16 : i32
          %parallel_loop3A_675 = arith.muli %parallel_loop3A_650, %parallel_loop3A_674 : i32
          %parallel_loop3A_676 = arith.index_cast %parallel_loop3A_673 : i32 to index
          %parallel_loop3A_677 = arith.index_cast %parallel_loop3A_675 : i32 to index
          %parallel_loop3A_678 = tpu.vector_load %arg10[%parallel_loop3A_676, %parallel_loop3A_677] {strides = array<i32>} : memref<32x1024xf32, #tpu.memory_space<vmem>>, vector<1x16xf32>,
          %parallel_loop3A_679 = vector.shape_cast %parallel_loop3A_678 : vector<1x16xf32> to vector<16xf32>
          %parallel_loop3A_680 = arith.addf %parallel_loop3A_671, %parallel_loop3A_679 : vector<16xf32>
          %parallel_loop3A_681 = arith.mulf %parallel_loop3A_680, %parallel_loop3A_661 : vector<16xf32>
          %parallel_loop3A_682 = arith.addf %parallel_loop3A_681, %parallel_loop3A_663 : vector<16xf32>
          %parallel_loop3A_683 = arith.constant 0 : i32
          %parallel_loop3A_684 = arith.addi %parallel_loop3A_253, %parallel_loop3A_683 : i32
          %parallel_loop3A_685 = arith.constant 16 : i32
          %parallel_loop3A_686 = arith.muli %parallel_loop3A_650, %parallel_loop3A_685 : i32
          %parallel_loop3A_687 = arith.index_cast %parallel_loop3A_684 : i32 to index
          %parallel_loop3A_688 = arith.index_cast %parallel_loop3A_686 : i32 to index
          %parallel_loop3A_689 = tpu.vector_load %arg9[%parallel_loop3A_687, %parallel_loop3A_688] {strides = array<i32>} : memref<64x1024xf32, #tpu.memory_space<vmem>>, vector<1x16xf32>,
          %parallel_loop3A_690 = vector.shape_cast %parallel_loop3A_689 : vector<1x16xf32> to vector<16xf32>
          %parallel_loop3A_691 = vector.shape_cast %parallel_loop3A_682 : vector<16xf32> to vector<1x16xf32>
          tpu.vector_store %arg9[%parallel_loop3A_687, %parallel_loop3A_688], %parallel_loop3A_691 {strides = array<i32>} : memref<64x1024xf32, #tpu.memory_space<vmem>>, vector<1x16xf32>,
          %parallel_loop3A_692 = arith.mulf %parallel_loop3A_454, %parallel_loop3A_655 : vector<16xf32>
          %parallel_loop3A_693 = arith.mulf %parallel_loop3A_389, %parallel_loop3A_692 : vector<16xf32>
          %parallel_loop3A_694 = arith.subf %parallel_loop3A_660, %parallel_loop3A_693 : vector<16xf32>
          %parallel_loop3A_695 = arith.constant 1 : i32
          %parallel_loop3A_696 = arith.addi %parallel_loop3A_253, %parallel_loop3A_695 : i32
          %parallel_loop3A_697 = arith.constant 16 : i32
          %parallel_loop3A_698 = arith.muli %parallel_loop3A_650, %parallel_loop3A_697 : i32
          %parallel_loop3A_699 = arith.index_cast %parallel_loop3A_696 : i32 to index
          %parallel_loop3A_700 = arith.index_cast %parallel_loop3A_698 : i32 to index
          %parallel_loop3A_701 = tpu.vector_load %arg9[%parallel_loop3A_699, %parallel_loop3A_700] {strides = array<i32>} : memref<64x1024xf32, #tpu.memory_space<vmem>>, vector<1x16xf32>,
          %parallel_loop3A_702 = vector.shape_cast %parallel_loop3A_701 : vector<1x16xf32> to vector<16xf32>
          %parallel_loop3A_703 = arith.constant 1 : i32
          %parallel_loop3A_704 = arith.addi %parallel_loop3A_256, %parallel_loop3A_703 : i32
          %parallel_loop3A_705 = arith.constant 16 : i32
          %parallel_loop3A_706 = arith.muli %parallel_loop3A_650, %parallel_loop3A_705 : i32
          %parallel_loop3A_707 = arith.index_cast %parallel_loop3A_704 : i32 to index
          %parallel_loop3A_708 = arith.index_cast %parallel_loop3A_706 : i32 to index
          %parallel_loop3A_709 = tpu.vector_load %arg10[%parallel_loop3A_707, %parallel_loop3A_708] {strides = array<i32>} : memref<32x1024xf32, #tpu.memory_space<vmem>>, vector<1x16xf32>,
          %parallel_loop3A_710 = vector.shape_cast %parallel_loop3A_709 : vector<1x16xf32> to vector<16xf32>
          %parallel_loop3A_711 = arith.addf %parallel_loop3A_702, %parallel_loop3A_710 : vector<16xf32>
          %parallel_loop3A_712 = arith.mulf %parallel_loop3A_711, %parallel_loop3A_692 : vector<16xf32>
          %parallel_loop3A_713 = arith.addf %parallel_loop3A_712, %parallel_loop3A_694 : vector<16xf32>
          %parallel_loop3A_714 = arith.constant 1 : i32
          %parallel_loop3A_715 = arith.addi %parallel_loop3A_253, %parallel_loop3A_714 : i32
          %parallel_loop3A_716 = arith.constant 16 : i32
          %parallel_loop3A_717 = arith.muli %parallel_loop3A_650, %parallel_loop3A_716 : i32
          %parallel_loop3A_718 = arith.index_cast %parallel_loop3A_715 : i32 to index
          %parallel_loop3A_719 = arith.index_cast %parallel_loop3A_717 : i32 to index
          %parallel_loop3A_720 = tpu.vector_load %arg9[%parallel_loop3A_718, %parallel_loop3A_719] {strides = array<i32>} : memref<64x1024xf32, #tpu.memory_space<vmem>>, vector<1x16xf32>,
          %parallel_loop3A_721 = vector.shape_cast %parallel_loop3A_720 : vector<1x16xf32> to vector<16xf32>
          %parallel_loop3A_722 = vector.shape_cast %parallel_loop3A_713 : vector<16xf32> to vector<1x16xf32>
          tpu.vector_store %arg9[%parallel_loop3A_718, %parallel_loop3A_719], %parallel_loop3A_722 {strides = array<i32>} : memref<64x1024xf32, #tpu.memory_space<vmem>>, vector<1x16xf32>,
          %parallel_loop3A_723 = arith.mulf %parallel_loop3A_550, %parallel_loop3A_655 : vector<16xf32>
          %parallel_loop3A_724 = arith.mulf %parallel_loop3A_485, %parallel_loop3A_723 : vector<16xf32>
          %parallel_loop3A_725 = arith.subf %parallel_loop3A_660, %parallel_loop3A_724 : vector<16xf32>
          %parallel_loop3A_726 = arith.constant 2 : i32
          %parallel_loop3A_727 = arith.addi %parallel_loop3A_253, %parallel_loop3A_726 : i32
          %parallel_loop3A_728 = arith.constant 16 : i32
          %parallel_loop3A_729 = arith.muli %parallel_loop3A_650, %parallel_loop3A_728 : i32
          %parallel_loop3A_730 = arith.index_cast %parallel_loop3A_727 : i32 to index
          %parallel_loop3A_731 = arith.index_cast %parallel_loop3A_729 : i32 to index
          %parallel_loop3A_732 = tpu.vector_load %arg9[%parallel_loop3A_730, %parallel_loop3A_731] {strides = array<i32>} : memref<64x1024xf32, #tpu.memory_space<vmem>>, vector<1x16xf32>,
          %parallel_loop3A_733 = vector.shape_cast %parallel_loop3A_732 : vector<1x16xf32> to vector<16xf32>
          %parallel_loop3A_734 = arith.constant 2 : i32
          %parallel_loop3A_735 = arith.addi %parallel_loop3A_256, %parallel_loop3A_734 : i32
          %parallel_loop3A_736 = arith.constant 16 : i32
          %parallel_loop3A_737 = arith.muli %parallel_loop3A_650, %parallel_loop3A_736 : i32
          %parallel_loop3A_738 = arith.index_cast %parallel_loop3A_735 : i32 to index
          %parallel_loop3A_739 = arith.index_cast %parallel_loop3A_737 : i32 to index
          %parallel_loop3A_740 = tpu.vector_load %arg10[%parallel_loop3A_738, %parallel_loop3A_739] {strides = array<i32>} : memref<32x1024xf32, #tpu.memory_space<vmem>>, vector<1x16xf32>,
          %parallel_loop3A_741 = vector.shape_cast %parallel_loop3A_740 : vector<1x16xf32> to vector<16xf32>
          %parallel_loop3A_742 = arith.addf %parallel_loop3A_733, %parallel_loop3A_741 : vector<16xf32>
          %parallel_loop3A_743 = arith.mulf %parallel_loop3A_742, %parallel_loop3A_723 : vector<16xf32>
          %parallel_loop3A_744 = arith.addf %parallel_loop3A_743, %parallel_loop3A_725 : vector<16xf32>
          %parallel_loop3A_745 = arith.constant 2 : i32
          %parallel_loop3A_746 = arith.addi %parallel_loop3A_253, %parallel_loop3A_745 : i32
          %parallel_loop3A_747 = arith.constant 16 : i32
          %parallel_loop3A_748 = arith.muli %parallel_loop3A_650, %parallel_loop3A_747 : i32
          %parallel_loop3A_749 = arith.index_cast %parallel_loop3A_746 : i32 to index
          %parallel_loop3A_750 = arith.index_cast %parallel_loop3A_748 : i32 to index
          %parallel_loop3A_751 = tpu.vector_load %arg9[%parallel_loop3A_749, %parallel_loop3A_750] {strides = array<i32>} : memref<64x1024xf32, #tpu.memory_space<vmem>>, vector<1x16xf32>,
          %parallel_loop3A_752 = vector.shape_cast %parallel_loop3A_751 : vector<1x16xf32> to vector<16xf32>
          %parallel_loop3A_753 = vector.shape_cast %parallel_loop3A_744 : vector<16xf32> to vector<1x16xf32>
          tpu.vector_store %arg9[%parallel_loop3A_749, %parallel_loop3A_750], %parallel_loop3A_753 {strides = array<i32>} : memref<64x1024xf32, #tpu.memory_space<vmem>>, vector<1x16xf32>,
          %parallel_loop3A_754 = arith.mulf %parallel_loop3A_646, %parallel_loop3A_655 : vector<16xf32>
          %parallel_loop3A_755 = arith.mulf %parallel_loop3A_581, %parallel_loop3A_754 : vector<16xf32>
          %parallel_loop3A_756 = arith.subf %parallel_loop3A_660, %parallel_loop3A_755 : vector<16xf32>
          %parallel_loop3A_757 = arith.constant 3 : i32
          %parallel_loop3A_758 = arith.addi %parallel_loop3A_253, %parallel_loop3A_757 : i32
          %parallel_loop3A_759 = arith.constant 16 : i32
          %parallel_loop3A_760 = arith.muli %parallel_loop3A_650, %parallel_loop3A_759 : i32
          %parallel_loop3A_761 = arith.index_cast %parallel_loop3A_758 : i32 to index
          %parallel_loop3A_762 = arith.index_cast %parallel_loop3A_760 : i32 to index
          %parallel_loop3A_763 = tpu.vector_load %arg9[%parallel_loop3A_761, %parallel_loop3A_762] {strides = array<i32>} : memref<64x1024xf32, #tpu.memory_space<vmem>>, vector<1x16xf32>,
          %parallel_loop3A_764 = vector.shape_cast %parallel_loop3A_763 : vector<1x16xf32> to vector<16xf32>
          %parallel_loop3A_765 = arith.constant 3 : i32
          %parallel_loop3A_766 = arith.addi %parallel_loop3A_256, %parallel_loop3A_765 : i32
          %parallel_loop3A_767 = arith.constant 16 : i32
          %parallel_loop3A_768 = arith.muli %parallel_loop3A_650, %parallel_loop3A_767 : i32
          %parallel_loop3A_769 = arith.index_cast %parallel_loop3A_766 : i32 to index
          %parallel_loop3A_770 = arith.index_cast %parallel_loop3A_768 : i32 to index
          %parallel_loop3A_771 = tpu.vector_load %arg10[%parallel_loop3A_769, %parallel_loop3A_770] {strides = array<i32>} : memref<32x1024xf32, #tpu.memory_space<vmem>>, vector<1x16xf32>,
          %parallel_loop3A_772 = vector.shape_cast %parallel_loop3A_771 : vector<1x16xf32> to vector<16xf32>
          %parallel_loop3A_773 = arith.addf %parallel_loop3A_764, %parallel_loop3A_772 : vector<16xf32>
          %parallel_loop3A_774 = arith.mulf %parallel_loop3A_773, %parallel_loop3A_754 : vector<16xf32>
          %parallel_loop3A_775 = arith.addf %parallel_loop3A_774, %parallel_loop3A_756 : vector<16xf32>
          %parallel_loop3A_776 = arith.constant 3 : i32
          %parallel_loop3A_777 = arith.addi %parallel_loop3A_253, %parallel_loop3A_776 : i32
          %parallel_loop3A_778 = arith.constant 16 : i32
          %parallel_loop3A_779 = arith.muli %parallel_loop3A_650, %parallel_loop3A_778 : i32
          %parallel_loop3A_780 = arith.index_cast %parallel_loop3A_777 : i32 to index
          %parallel_loop3A_781 = arith.index_cast %parallel_loop3A_779 : i32 to index
          %parallel_loop3A_782 = tpu.vector_load %arg9[%parallel_loop3A_780, %parallel_loop3A_781] {strides = array<i32>} : memref<64x1024xf32, #tpu.memory_space<vmem>>, vector<1x16xf32>,
          %parallel_loop3A_783 = vector.shape_cast %parallel_loop3A_782 : vector<1x16xf32> to vector<16xf32>
          %parallel_loop3A_784 = vector.shape_cast %parallel_loop3A_775 : vector<16xf32> to vector<1x16xf32>
          tpu.vector_store %arg9[%parallel_loop3A_780, %parallel_loop3A_781], %parallel_loop3A_784 {strides = array<i32>} : memref<64x1024xf32, #tpu.memory_space<vmem>>, vector<1x16xf32>,
        } {sc.loop_unroll_factor = 4 : i64, sc.parallel_access}
      } {sc.loop_unroll_factor = 1 : i64, sc.parallel_access}
      "tpu.trace_stop"() : () -> ()
      %mul3A_155 = arith.constant 16 : i32
      %mul3A_156 = arith.muli %select_n3A_91, %mul3A_155 : i32
      %jit3A_157 = arith.constant 4 : i32
      %eq3A_158 = arith.constant 0 : i32
      %eq3A_159 = arith.cmpi eq, %jit3A_157, %eq3A_158 : i32
      %jit3A_160 = arith.constant 1 : i32
      %select_n3A_161 = arith.select %eq3A_159, %jit3A_160, %jit3A_157 : i32
      %rem3A_162 = arith.remsi %scan3A_81, %select_n3A_161 : i32
      %ne3A_163 = arith.constant 0 : i32
      %ne3A_164 = arith.cmpi ne, %rem3A_162, %ne3A_163 : i32
      %lt3A_165 = arith.constant 0 : i32
      %lt3A_166 = arith.cmpi slt, %rem3A_162, %lt3A_165 : i32
      %lt3A_167 = arith.constant 0 : i32
      %lt3A_168 = arith.cmpi slt, %select_n3A_161, %lt3A_167 : i32
      %ne3A_169 = arith.xori %lt3A_166, %lt3A_168 : i1
      %and3A_170 = arith.andi %ne3A_169, %ne3A_164 : i1
      %add3A_171 = arith.addi %rem3A_162, %select_n3A_161 : i32
      %select_n3A_172 = arith.select %and3A_170, %add3A_171, %rem3A_162 : i32
      %mul3A_173 = arith.constant 4096 : i32
      %mul3A_174 = arith.muli %select_n3A_172, %mul3A_173 : i32
      %jit3A_175 = arith.constant 4 : i32
      %div3A_176 = arith.divsi %scan3A_81, %jit3A_175 : i32
      %sign3A_177 = arith.constant 0 : i32
      %sign3A_178 = arith.cmpi sgt, %scan3A_81, %sign3A_177 : i32
      %sign3A_179 = arith.extui %sign3A_178 : i1 to i32
      %sign3A_180 = arith.constant 0 : i32
      %sign3A_181 = arith.cmpi slt, %scan3A_81, %sign3A_180 : i32
      %sign3A_182 = arith.extui %sign3A_181 : i1 to i32
      %sign3A_183 = arith.subi %sign3A_179, %sign3A_182 : i32
      %sign3A_184 = arith.constant 0 : i32
      %sign3A_185 = arith.cmpi sgt, %jit3A_175, %sign3A_184 : i32
      %sign3A_186 = arith.extui %sign3A_185 : i1 to i32
      %sign3A_187 = arith.constant 0 : i32
      %sign3A_188 = arith.cmpi slt, %jit3A_175, %sign3A_187 : i32
      %sign3A_189 = arith.extui %sign3A_188 : i1 to i32
      %sign3A_190 = arith.subi %sign3A_186, %sign3A_189 : i32
      %ne3A_191 = arith.cmpi ne, %sign3A_183, %sign3A_190 : i32
      %rem3A_192 = arith.remsi %scan3A_81, %jit3A_175 : i32
      %ne3A_193 = arith.constant 0 : i32
      %ne3A_194 = arith.cmpi ne, %rem3A_192, %ne3A_193 : i32
      %and3A_195 = arith.andi %ne3A_191, %ne3A_194 : i1
      %sub3A_196 = arith.constant 1 : i32
      %sub3A_197 = arith.subi %div3A_176, %sub3A_196 : i32
      %select_n3A_198 = arith.select %and3A_195, %sub3A_197, %div3A_176 : i32
      %mul3A_199 = arith.constant 16 : i32
      %mul3A_200 = arith.muli %select_n3A_198, %mul3A_199 : i32
      %add3A_201 = arith.addi %mul3A_2, %mul3A_200 : i32
      %add3A_202 = arith.addi %mul3A_174, %add3A_201 : i32
      %dma_start3A_203 = arith.constant 0 : i32
      %dma_start3A_204 = tpu.memref_slice %arg9[%mul3A_156, %dma_start3A_203] : memref<64x1024xf32, #tpu.memory_space<vmem>> -> memref<16x1024xf32, #tpu.memory_space<vmem>>
      %dma_start3A_205 = arith.constant 0 : i32
      %dma_start3A_206 = tpu.memref_slice %arg7[%add3A_202, %dma_start3A_205] : memref<16384x1024xf32, #tpu.memory_space<hbm>> -> memref<16x1024xf32, #tpu.memory_space<hbm>>
      %dma_start3A_207 = tpu.memref_slice %arg14[%select_n3A_91] : memref<4x!tpu.dma_semaphore, #tpu.memory_space<semaphore_mem>> -> memref<1x!tpu.dma_semaphore, #tpu.memory_space<semaphore_mem>>
      %dma_start3A_208 = tpu.memref_squeeze %dma_start3A_207 : memref<1x!tpu.dma_semaphore, #tpu.memory_space<semaphore_mem>> -> memref<!tpu.dma_semaphore, #tpu.memory_space<semaphore_mem>>
      %dma_start3A_209 = arith.constant 0 : i32
      %dma_start3A_210 = tpu.memref_slice %arg7[%add3A_202, %dma_start3A_209] : memref<16384x1024xf32, #tpu.memory_space<hbm>> -> memref<16x1024xf32, #tpu.memory_space<hbm>>
      %dma_start3A_211 = arith.constant 0 : i32
      %dma_start3A_212 = tpu.memref_slice %arg9[%mul3A_156, %dma_start3A_211] : memref<64x1024xf32, #tpu.memory_space<vmem>> -> memref<16x1024xf32, #tpu.memory_space<vmem>>
      tpu.enqueue_dma source(%dma_start3A_212 : memref<16x1024xf32, #tpu.memory_space<vmem>>) target(%dma_start3A_210 : memref<16x1024xf32, #tpu.memory_space<hbm>>) target_semaphore(%dma_start3A_208 : memref<!tpu.dma_semaphore, #tpu.memory_space<semaphore_mem>>)
      %ge3A = arith.constant 1 : i32
      "tpu.trace_start"() <{level = 10 : i32, message = "swait"}> : () -> ()
      %ge3A_213 = arith.cmpi sge, %scan3A_81, %ge3A : i32
      %convert_element_type3A_214 = arith.extui %ge3A_213 : i1 to i32
      %cond3A_215 = arith.constant 0 : i32
      %cond3A_216 = arith.cmpi ne, %convert_element_type3A_214, %cond3A_215 : i32
      scf.if %cond3A_216 {
        %sub3A_246 = arith.constant 1 : i32
        %sub3A_247 = arith.subi %scan3A_81, %sub3A_246 : i32
        %jit3A_248 = arith.constant 4 : i32
        %eq3A_249 = arith.constant 0 : i32
        %eq3A_250 = arith.cmpi eq, %jit3A_248, %eq3A_249 : i32
        %jit3A_251 = arith.constant 1 : i32
        %select_n3A_252 = arith.select %eq3A_250, %jit3A_251, %jit3A_248 : i32
        %rem3A_253 = arith.remsi %sub3A_247, %select_n3A_252 : i32
        %ne3A_254 = arith.constant 0 : i32
        %ne3A_255 = arith.cmpi ne, %rem3A_253, %ne3A_254 : i32
        %lt3A_256 = arith.constant 0 : i32
        %lt3A_257 = arith.cmpi slt, %rem3A_253, %lt3A_256 : i32
        %lt3A_258 = arith.constant 0 : i32
        %lt3A_259 = arith.cmpi slt, %select_n3A_252, %lt3A_258 : i32
        %ne3A_260 = arith.xori %lt3A_257, %lt3A_259 : i1
        %and3A_261 = arith.andi %ne3A_260, %ne3A_255 : i1
        %add3A_262 = arith.addi %rem3A_253, %select_n3A_252 : i32
        %select_n3A_263 = arith.select %and3A_261, %add3A_262, %rem3A_253 : i32
        %mul3A_264 = arith.constant 16 : i32
        %mul3A_265 = arith.muli %select_n3A_263, %mul3A_264 : i32
        %dma_wait3A_266 = arith.constant 0 : i32
        %dma_wait3A_267 = tpu.memref_slice %arg9[%mul3A_265, %dma_wait3A_266] : memref<64x1024xf32, #tpu.memory_space<vmem>> -> memref<16x1024xf32, #tpu.memory_space<vmem>>
        %dma_wait3A_268 = arith.constant 0 : i32
        %dma_wait3A_269 = arith.constant 0 : i32
        %dma_wait3A_270 = tpu.memref_slice %arg7[%dma_wait3A_268, %dma_wait3A_269] : memref<16384x1024xf32, #tpu.memory_space<hbm>> -> memref<16x1024xf32, #tpu.memory_space<hbm>>
        %dma_wait3A_271 = tpu.memref_slice %arg14[%select_n3A_263] : memref<4x!tpu.dma_semaphore, #tpu.memory_space<semaphore_mem>> -> memref<1x!tpu.dma_semaphore, #tpu.memory_space<semaphore_mem>>
        %dma_wait3A_272 = tpu.memref_squeeze %dma_wait3A_271 : memref<1x!tpu.dma_semaphore, #tpu.memory_space<semaphore_mem>> -> memref<!tpu.dma_semaphore, #tpu.memory_space<semaphore_mem>>
        %dma_wait3A_273 = arith.constant 0 : i32
        %dma_wait3A_274 = tpu.memref_slice %arg9[%mul3A_265, %dma_wait3A_273] : memref<64x1024xf32, #tpu.memory_space<vmem>> -> memref<16x1024xf32, #tpu.memory_space<vmem>>
        %dma_wait3A_275 = arith.constant 0 : i32
        %dma_wait3A_276 = arith.constant 0 : i32
        %dma_wait3A_277 = tpu.memref_slice %arg7[%dma_wait3A_275, %dma_wait3A_276] : memref<16384x1024xf32, #tpu.memory_space<hbm>> -> memref<16x1024xf32, #tpu.memory_space<hbm>>
        tpu.wait_dma2 semaphore(%dma_wait3A_272 : memref<!tpu.dma_semaphore, #tpu.memory_space<semaphore_mem>>) src(%dma_wait3A_277 : memref<16x1024xf32, #tpu.memory_space<hbm>>) dst(%dma_wait3A_274 : memref<16x1024xf32, #tpu.memory_space<vmem>>)
      } else {
      }
      "tpu.trace_stop"() : () -> ()
      %add3A_217 = arith.constant 1 : i32
      %add3A_218 = arith.addi %scan3A_81, %add3A_217 : i32
      %jit3A_219 = arith.constant 4 : i32
      %eq3A_220 = arith.constant 0 : i32
      %eq3A_221 = arith.cmpi eq, %jit3A_219, %eq3A_220 : i32
      %jit3A_222 = arith.constant 1 : i32
      %select_n3A_223 = arith.select %eq3A_221, %jit3A_222, %jit3A_219 : i32
      %rem3A_224 = arith.remsi %add3A_218, %select_n3A_223 : i32
      %ne3A_225 = arith.constant 0 : i32
      %ne3A_226 = arith.cmpi ne, %rem3A_224, %ne3A_225 : i32
      %lt3A_227 = arith.constant 0 : i32
      %lt3A_228 = arith.cmpi slt, %rem3A_224, %lt3A_227 : i32
      %lt3A_229 = arith.constant 0 : i32
      %lt3A_230 = arith.cmpi slt, %select_n3A_223, %lt3A_229 : i32
      %ne3A_231 = arith.xori %lt3A_228, %lt3A_230 : i1
      %and3A_232 = arith.andi %ne3A_231, %ne3A_226 : i1
      %add3A_233 = arith.addi %rem3A_224, %select_n3A_223 : i32
      %select_n3A_234 = arith.select %and3A_232, %add3A_233, %rem3A_224 : i32
      %eq3A_235 = arith.constant 0 : i32
      %eq3A_236 = arith.cmpi eq, %select_n3A_234, %eq3A_235 : i32
      %add3A_237 = arith.constant 1 : i32
      %add3A_238 = arith.addi %scan3A_81, %add3A_237 : i32
      %lt3A_239 = arith.constant 32 : i32
      %lt3A_240 = arith.cmpi slt, %add3A_238, %lt3A_239 : i32
      %and3A_241 = arith.andi %eq3A_236, %lt3A_240 : i1
      %convert_element_type3A_242 = arith.extui %and3A_241 : i1 to i32
      %cond3A_243 = arith.constant 0 : i32
      %cond3A_244 = arith.cmpi ne, %convert_element_type3A_242, %cond3A_243 : i32
      scf.if %cond3A_244 {
        %add3A_246 = arith.constant 1 : i32
        %add3A_247 = arith.addi %scan3A_81, %add3A_246 : i32
        %jit3A_248 = arith.constant 4 : i32
        %div3A_249 = arith.divsi %add3A_247, %jit3A_248 : i32
        %sign3A_250 = arith.constant 0 : i32
        %sign3A_251 = arith.cmpi sgt, %add3A_247, %sign3A_250 : i32
        %sign3A_252 = arith.extui %sign3A_251 : i1 to i32
        %sign3A_253 = arith.constant 0 : i32
        %sign3A_254 = arith.cmpi slt, %add3A_247, %sign3A_253 : i32
        %sign3A_255 = arith.extui %sign3A_254 : i1 to i32
        %sign3A_256 = arith.subi %sign3A_252, %sign3A_255 : i32
        %sign3A_257 = arith.constant 0 : i32
        %sign3A_258 = arith.cmpi sgt, %jit3A_248, %sign3A_257 : i32
        %sign3A_259 = arith.extui %sign3A_258 : i1 to i32
        %sign3A_260 = arith.constant 0 : i32
        %sign3A_261 = arith.cmpi slt, %jit3A_248, %sign3A_260 : i32
        %sign3A_262 = arith.extui %sign3A_261 : i1 to i32
        %sign3A_263 = arith.subi %sign3A_259, %sign3A_262 : i32
        %ne3A_264 = arith.cmpi ne, %sign3A_256, %sign3A_263 : i32
        %rem3A_265 = arith.remsi %add3A_247, %jit3A_248 : i32
        %ne3A_266 = arith.constant 0 : i32
        %ne3A_267 = arith.cmpi ne, %rem3A_265, %ne3A_266 : i32
        %and3A_268 = arith.andi %ne3A_264, %ne3A_267 : i1
        %sub3A_269 = arith.constant 1 : i32
        %sub3A_270 = arith.subi %div3A_249, %sub3A_269 : i32
        %select_n3A_271 = arith.select %and3A_268, %sub3A_270, %div3A_249 : i32
        %add3A_272 = arith.constant 1 : i32
        %add3A_273 = arith.addi %select_n3A_271, %add3A_272 : i32
        %lt3A_274 = arith.constant 8 : i32
        %lt3A_275 = arith.cmpi slt, %add3A_273, %lt3A_274 : i32
        %convert_element_type3A_276 = arith.extui %lt3A_275 : i1 to i32
        %cond3A_277 = arith.constant 0 : i32
        %cond3A_278 = arith.cmpi ne, %convert_element_type3A_276, %cond3A_277 : i32
        scf.if %cond3A_278 {
          %mul3A_279 = arith.constant 16 : i32
          %mul3A_280 = arith.muli %add3A_273, %mul3A_279 : i32
          %add3A_281 = arith.addi %mul3A_2, %mul3A_280 : i32
          %and3A_282 = arith.constant 1 : i32
          %and3A_283 = arith.andi %add3A_273, %and3A_282 : i32
          %mul3A_284 = arith.constant 16 : i32
          %mul3A_285 = arith.muli %and3A_283, %mul3A_284 : i32
          %and3A_286 = arith.constant 1 : i32
          %and3A_287 = arith.andi %add3A_273, %and3A_286 : i32
          %dma_start3A_288 = arith.constant 0 : i32
          %dma_start3A_289 = tpu.memref_slice %arg10[%mul3A_285, %dma_start3A_288] : memref<32x1024xf32, #tpu.memory_space<vmem>> -> memref<16x1024xf32, #tpu.memory_space<vmem>>
          %dma_start3A_290 = arith.constant 0 : i32
          %dma_start3A_291 = tpu.memref_slice %arg4[%add3A_281, %dma_start3A_290] : memref<4096x1024xf32, #tpu.memory_space<hbm>> -> memref<16x1024xf32, #tpu.memory_space<hbm>>
          %dma_start3A_292 = tpu.memref_slice %arg15[%and3A_287] : memref<2x!tpu.dma_semaphore, #tpu.memory_space<semaphore_mem>> -> memref<1x!tpu.dma_semaphore, #tpu.memory_space<semaphore_mem>>
          %dma_start3A_293 = tpu.memref_squeeze %dma_start3A_292 : memref<1x!tpu.dma_semaphore, #tpu.memory_space<semaphore_mem>> -> memref<!tpu.dma_semaphore, #tpu.memory_space<semaphore_mem>>
          %dma_start3A_294 = arith.constant 0 : i32
          %dma_start3A_295 = tpu.memref_slice %arg10[%mul3A_285, %dma_start3A_294] : memref<32x1024xf32, #tpu.memory_space<vmem>> -> memref<16x1024xf32, #tpu.memory_space<vmem>>
          %dma_start3A_296 = arith.constant 0 : i32
          %dma_start3A_297 = tpu.memref_slice %arg4[%add3A_281, %dma_start3A_296] : memref<4096x1024xf32, #tpu.memory_space<hbm>> -> memref<16x1024xf32, #tpu.memory_space<hbm>>
          tpu.enqueue_dma source(%dma_start3A_297 : memref<16x1024xf32, #tpu.memory_space<hbm>>) target(%dma_start3A_295 : memref<16x1024xf32, #tpu.memory_space<vmem>>) target_semaphore(%dma_start3A_293 : memref<!tpu.dma_semaphore, #tpu.memory_space<semaphore_mem>>)
        } else {
        }
      } else {
      }
      %scan3A_245 = arith.constant 0 : i32
      scf.yield %scan3A_245 : i32
    }
    %scan3A_66 = arith.constant 32 : i32
    %dma_wait3A = arith.constant 3 : i32
    %dma_wait3A_67 = arith.constant 48 : i32
    %dma_wait3A_68 = arith.constant 0 : i32
    %dma_wait3A_69 = tpu.memref_slice %arg9[%dma_wait3A_67, %dma_wait3A_68] : memref<64x1024xf32, #tpu.memory_space<vmem>> -> memref<16x1024xf32, #tpu.memory_space<vmem>>
    %dma_wait3A_70 = arith.constant 0 : i32
    %dma_wait3A_71 = arith.constant 0 : i32
    %dma_wait3A_72 = tpu.memref_slice %arg7[%dma_wait3A_70, %dma_wait3A_71] : memref<16384x1024xf32, #tpu.memory_space<hbm>> -> memref<16x1024xf32, #tpu.memory_space<hbm>>
    %dma_wait3A_73 = tpu.memref_slice %arg14[%dma_wait3A] : memref<4x!tpu.dma_semaphore, #tpu.memory_space<semaphore_mem>> -> memref<1x!tpu.dma_semaphore, #tpu.memory_space<semaphore_mem>>
    %dma_wait3A_74 = tpu.memref_squeeze %dma_wait3A_73 : memref<1x!tpu.dma_semaphore, #tpu.memory_space<semaphore_mem>> -> memref<!tpu.dma_semaphore, #tpu.memory_space<semaphore_mem>>
    %dma_wait3A_75 = arith.constant 48 : i32
    %dma_wait3A_76 = arith.constant 0 : i32
    %dma_wait3A_77 = tpu.memref_slice %arg9[%dma_wait3A_75, %dma_wait3A_76] : memref<64x1024xf32, #tpu.memory_space<vmem>> -> memref<16x1024xf32, #tpu.memory_space<vmem>>
    %dma_wait3A_78 = arith.constant 0 : i32
    %dma_wait3A_79 = arith.constant 0 : i32
    %dma_wait3A_80 = tpu.memref_slice %arg7[%dma_wait3A_78, %dma_wait3A_79] : memref<16384x1024xf32, #tpu.memory_space<hbm>> -> memref<16x1024xf32, #tpu.memory_space<hbm>>
    tpu.wait_dma2 semaphore(%dma_wait3A_74 : memref<!tpu.dma_semaphore, #tpu.memory_space<semaphore_mem>>) src(%dma_wait3A_80 : memref<16x1024xf32, #tpu.memory_space<hbm>>) dst(%dma_wait3A_77 : memref<16x1024xf32, #tpu.memory_space<vmem>>)
    return
  }
}

</mosaic_0001>

<sc_bundles>
// kernel: _run.3.cloned.1.call-start
scs
__scs_entry_jumppad:
0x0: {  	(pc) =	sbr.rel $0x88, $3  }
0x1: {  	(tag) =	ssettag $0x0;
	lr =	simm.s32 $0x1  }
0x2: {  	[smem:$0x3F9C] =	sst lr;
	_ =	strace $0xD0000000  }
0x3: {  	_ = 	snop  }
0x4: {  	_ = 	snop  }
0x5: {  	_ = 	snop  }
0x6: {  	_ = 	snop  }
0x7: {  	_ = 	snop  }
__scs_overlays_trampoline_lowered:
0x8: {  	[smem:$0x3FAB] =	sst s0  }
0x9: {  	[smem:$0x3FAC] =	sst s1  }
0xa: {  	[smem:$0x3FAD] =	sst s2  }
0xb: {  	[smem:$0x3FAE] =	sst s3  }
0xc: {  	[smem:$0x3FAF] =	sst s4  }
0xd: {  	[smem:$0x3FB0] =	sst s5  }
0xe: {  	[smem:$0x3FB1] =	sst s6  }
0xf: {  	[smem:$0x3FB2] =	sst s7  }
0x10: {  	[smem:$0x3FB3] =	sst s8  }
0x11: {  	[smem:$0x3FB4] =	sst s9;
	s0 =	simm.s32 @!p0 $0x0  }
0x12: {  	s1 =	sld [smem:$0x3F9A];
	s0 =	simm.s32 @p0 $0x1  }
0x13: {  	[smem:$0x3FB5] =	sst s0;
	s0 =	simm.s32 @!p1 $0x0  }
0x14: {  	s2 =	sld [smem:$0x3F99];
	s0 =	simm.s32 @p1 $0x1  }
0x15: {  	[smem:$0x3FB6] =	sst s0;
	s0 =	simm.s32 @!p2 $0x0  }
0x16: {  	s3 =	sld [smem:$0x3FDB];
	s0 =	simm.s32 @p2 $0x1  }
0x17: {  	s4 =	simm.s32 $0x1BF5;
	[smem:$0x3FB8] =	sst s0  }
0x18: {  	s0 =	sld [smem:$0x3F9B];
	_ =	swait.ge [sflag:s4], $0x0  }
0x19: {  	s7 =	sld [smem:$0x3F9C]  }
0x1a: {  	s8 =	sadd.s32 $0xFFFFE003, lr  }
0x1b: {  	s9 =	sadd.s32 $0xFFFFFEF7, lr;
	s5 =	simm.s32 $0xFFFFFFFF;
	p2 =	slt.u32 s8, $0xFFFFF086  }
0x1c: {  	p1 =	slt.u32 s9, $0xF7A;
	s5 =	simm.s32 @!p2 $0x0  }
0x1d: {  	s5 =	simm.s32 @p1 $0x1;
	p0 =	seq.s32 s7, s2  }
0x1e: {  	s7 =	smul.u32 @!p0 $0xF7A, s2;
	p2 =	seq.s32 @!p0 s5, $0x0  }
0x1f: {  	s9 =	smul.u32 $0xF7A, s1;
	s8 =	simm.s32 @!p0 $0x1BF5;
	p2 =	por !p2, p0  }
0x20: {  	[sflag:s8] =	ssyncset.s32 @!p0 $0xFFFFF086;
	s6 =	sadd.s32 @!p0 s3, s7;
	s7 =	simm.s32 @!p0 $0x108  }
0x21: {  	s3 =	sadd.s32 s3, s9;
	s6 =	sadd.s32 @!p0 $0x88, s6;
	s7 =	simm.s32 @p2 $0x1082  }
0x22: {  	[simem:s7], [sflag:s8] =	dma.local @!p0 [hbm:s6], $0xF7A  }
0x23: {  	s9 =	sor.u32 $0xD0000000, s2;
	s6 =	simm.s32 $0x108;
	_ =	swait.ge @!p0 [sflag:s8], $0x0  }
0x24: {  	s3 =	sadd.s32 $0x88, s3;
	s6 =	simm.s32 @!p1 $0x1082;
	[sflag:s4] =	ssyncset.s32 $0xFFFFF086  }
0x25: {  	[simem:s6], [sflag:s4] =	dma.local [hbm:s3], $0xF7A  }
0x26: {  	[smem:$0x3F9C] =	sst s1;
	(tag) =	ssettag s2;
	_ =	strace s9  }
0x27: {  	s1 =	sld [smem:$0x3FAC]  }
0x28: {  	s2 =	sld [smem:$0x3FAD]  }
0x29: {  	s4 =	sld [smem:$0x3FAF]  }
0x2a: {  	p0 =	seq.s32 s5, $0x0;
	s5 =	sld [smem:$0x3FB0]  }
0x2b: {  	s6 =	sld [smem:$0x3FB1]  }
0x2c: {  	s7 =	sld [smem:$0x3FB2]  }
0x2d: {  	s3 =	simm.s32 $0x108;
	s8 =	sld [smem:$0x3FB3]  }
0x2e: {  	s3 =	simm.s32 @!p0 $0x1082;
	s9 =	sld [smem:$0x3FB4]  }
0x2f: {  	lr =	sadd.s32 s0, s3;
	s0 =	sld [smem:$0x3FAB]  }
0x30: {  	s3 =	sld [smem:$0x3FAE]  }
0x31: {  	[smem:$0x3FB7] =	sst s10  }
0x32: {  	s10 =	sld [smem:$0x3FB5];
	_ =	sdelay $0x3  }
0x33: {  	p0 =	seq.s32 s10, $0x1;
	s10 =	sld [smem:$0x3FB7];
	_ =	sdelay $0x3  }
0x34: {  	[smem:$0x3FB7] =	sst s10  }
0x35: {  	s10 =	sld [smem:$0x3FB6];
	_ =	sdelay $0x3  }
0x36: {  	p1 =	seq.s32 s10, $0x1;
	s10 =	sld [smem:$0x3FB7];
	_ =	sdelay $0x3  }
0x37: {  	[smem:$0x3FB7] =	sst s10  }
0x38: {  	s10 =	sld [smem:$0x3FB8]  }
0x39: {  	_ = 	snop;
	(pc) =	sbr.ind lr, $3  }
0x3a: {  	_ = 	snop  }
0x3b: {  	_ = 	snop  }
0x3c: {  	p2 =	seq.s32 s10, $0x1;
	s10 =	sld [smem:$0x3FB7]  }
0x3d: {  	_ =	shalt  }
0x3e: {  	_ =	shalt  }
0x3f: {  	_ =	shalt  }
0x40: {  	_ =	shalt  }
0x41: {  	_ =	shalt  }
0x42: {  	_ =	shalt  }
0x43: {  	_ =	shalt  }
0x44: {  	_ =	shalt  }
0x45: {  	_ =	shalt  }
0x46: {  	_ =	shalt  }
0x47: {  	_ =	shalt  }
0x48: {  	_ =	shalt  }
0x49: {  	_ =	shalt  }
0x4a: {  	_ =	shalt  }
0x4b: {  	_ =	shalt  }
0x4c: {  	_ =	shalt  }
0x4d: {  	_ =	shalt  }
0x4e: {  	_ =	shalt  }
0x4f: {  	_ =	shalt  }
0x50: {  	_ =	shalt  }
0x51: {  	_ =	shalt  }
0x52: {  	_ =	shalt  }
0x53: {  	_ =	shalt  }
0x54: {  	_ =	shalt  }
0x55: {  	_ =	shalt  }
0x56: {  	_ =	shalt  }
0x57: {  	_ =	shalt  }
0x58: {  	_ =	shalt  }
0x59: {  	_ =	shalt  }
0x5a: {  	_ =	shalt  }
0x5b: {  	_ =	shalt  }
0x5c: {  	_ =	shalt  }
0x5d: {  	_ =	shalt  }
0x5e: {  	_ =	shalt  }
0x5f: {  	_ =	shalt  }
0x60: {  	_ =	shalt  }
0x61: {  	_ =	shalt  }
0x62: {  	_ =	shalt  }
0x63: {  	_ =	shalt  }
0x64: {  	_ =	shalt  }
0x65: {  	_ =	shalt  }
0x66: {  	_ =	shalt  }
0x67: {  	_ =	shalt  }
0x68: {  	_ =	shalt  }
0x69: {  	_ =	shalt  }
0x6a: {  	_ =	shalt  }
0x6b: {  	_ =	shalt  }
0x6c: {  	_ =	shalt  }
0x6d: {  	_ =	shalt  }
0x6e: {  	_ =	shalt  }
0x6f: {  	_ =	shalt  }
0x70: {  	_ =	shalt  }
0x71: {  	_ =	shalt  }
0x72: {  	_ =	shalt  }
0x73: {  	_ =	shalt  }
0x74: {  	_ =	shalt  }
0x75: {  	_ =	shalt  }
0x76: {  	_ =	shalt  }
0x77: {  	_ =	shalt  }
0x78: {  	_ =	shalt  }
0x79: {  	_ =	shalt  }
0x7a: {  	_ =	shalt  }
0x7b: {  	_ =	shalt  }
0x7c: {  	_ =	shalt  }
0x7d: {  	_ =	shalt  }
0x7e: {  	_ =	shalt  }
0x7f: {  	_ =	shalt  }
0x80: {  	_ =	shalt  }
0x81: {  	_ =	shalt  }
0x82: {  	_ =	shalt  }
0x83: {  	_ =	shalt  }
0x84: {  	_ =	shalt  }
0x85: {  	_ =	shalt  }
0x86: {  	_ =	shalt  }
0x87: {  	_ =	shalt  }
.Lfunc_end0:
.L_simem_size_0:
called_computation_lowered:
.L_overlay_start_0:
0x88: {  	s2 =	sld [smem:$0x3FD9]  }
0x89: {  	s3 =	sld [smem:$0x3FFE];
	_ =	sdelay $0x1  }
0x8a: {  	s1 =	srdreg.scid  }
0x8b: {  	s0 =	sand.u32 $0x1, s1  }
0x8c: {  	s18 =	sshll.u32 s0, $0xA;
	s2 =	sadd.s32 s3, s2  }
0x8d: {  	s2 =	sadd.s32 s2, s18  }
0x8e: {  	[smem:$0x3FC3] =	sst s2  }
0x8f: {  	_ = 	snop  }
0x90: {  	s2 =	sld [smem:$0x3FC9]  }
0x91: {  	s19 =	sld [smem:$0x3FC8]  }
0x92: {  	s4 =	sld [smem:$0x3FC7]  }
0x93: {  	s5 =	sld [smem:$0x3FC6]  }
0x94: {  	s6 =	sld [smem:$0x3FC5]  }
0x95: {  	s7 =	sld [smem:$0x3FD0];
	(tm) =	ssettm $0x1  }
0x96: {  	s8 =	sld [smem:$0x3FFB];
	_ =	sdelay $0x3  }
0x97: {  	_ =	strace s8  }
0x98: {  	s8 =	sld [smem:$0x3FFC];
	_ =	sdelay $0x3  }
0x99: {  	_ =	strace s8  }
0x9a: {  	s8 =	sld [smem:$0x3FFD];
	_ =	sdelay $0x3  }
0x9b: {  	_ =	strace s8  }
0x9c: {  	_ =	strace $0x8FFFFFFF  }
0x9d: {  	s20 =	sld [smem:$0x3FDB];
	_ =	sdelay $0x1  }
0x9e: {  	s9 =	simm.s32 $_scs_section_size  }
0x9f: {  	s10 =	simm.s32 $_size__tile_overlayer_lowered;
	s11 =	simm.s32 $_tile_overlayer_lowered  }
0xa0: {  	s23 =	simm.s32 $0x1BFF;
	s22 =	sshll.u32 s11, $0x1;
	s8 =	sadd.s32 s9, s20  }
0xa1: {  	s12 =	simm.s32 $0x0;
	s21 =	sshll.u32 s10, $0x1;
	s10 =	sadd.s32 s22, s8  }
0xa2: {  	[timem:s12], [sflag:s23] =	dma.local [hbm:s10], s21  }
0xa3: {  	_ =	swait.ge [sflag:s23], s21  }
0xa4: {  	s9 =	ssub.s32 $0x0, s21;
	[sflag:s23] =	ssyncset.done $0x0  }
0xa5: {  	[sflag:s23] =	ssyncadd.s32 s9;
	_ =	sdelay $0x1  }
0xa6: {  	s24 =	simm.s32 $0x1B8B  }
0xa7: {  	_ =	swait.ge [sflag:s24], $0x1  }
0xa8: {  	[sflag:s24] =	ssyncset.done $0x0  }
0xa9: {  	s25 =	simm.s32 $0x1B8E;
	[sflag:s24] =	ssyncadd.s32 $0xFFFFFFFF  }
0xaa: {  	s26 =	simm.s32 $execute0_lowered;
	[smem:$0x3FD2] =	sst s25  }
0xab: {  	s9 =	sshll.u32 s26, $0x1;
	_ =	strace $0x80000046;
	[dreg:$0x1] =	wrdreg $0xFFFFFFFF  }
0xac: {  	s28 =	simm.s32 $_size_execute0_lowered;
	s8 =	sadd.s32 s8, s9;
	[dreg:$0x0] =	wrdreg $0x0  }
0xad: {  	s9 =	sshll.u32 s28, $0x1;
	[dreg:$0x2] =	wrdreg s8  }
0xae: {  	[dreg:$0x3] =	wrdreg s9  }
0xaf: {  	[dreg:$0x4] =	wrdreg $0xC0  }
0xb0: {  	_ =	task [dreg:s12], $0x5FFFF  }
0xb1: {  	[dreg:$0x1] =	wrdreg $0xFFFFFFFF  }
0xb2: {  	[dreg:$0x0] =	wrdreg $0x60  }
0xb3: {  	[dreg:$0x2] =	wrdreg s2  }
0xb4: {  	[dreg:$0x3] =	wrdreg s19  }
0xb5: {  	[dreg:$0x4] =	wrdreg s4  }
0xb6: {  	[dreg:$0x5] =	wrdreg s5  }
0xb7: {  	[dreg:$0x6] =	wrdreg s6  }
0xb8: {  	[dreg:$0x7] =	wrdreg s7  }
0xb9: {  	[dreg:$0x8] =	wrdreg $0x9  }
0xba: {  	_ =	task.clear_ibuf [dreg:s12], $0x9FFFF;
	_ =	strace $0x90000046  }
0xbb: {  	s29 =	simm.s32 $0x9;
	_ =	strace $0x8000004C  }
0xbc: {  	_ =	swait.ge [sflag:s29], $0x1  }
0xbd: {  	[sflag:s29] =	ssyncadd.s32 $0xFFFFFFFF  }
0xbe: {  	_ =	strace $0x9000004C  }
0xbf: {  	_ =	sfence  }
0xc0: {  	s30 =	sld [smem:$0x0];
	_ =	sdelay $0x2  }
0xc1: {  	s31 =	sshll.u32 s1, $0xD;
	s1 =	sshrl.u32 s1, $0x2  }
0xc2: {  	s3 =	sand.u32 $0x4000, s31;
	s1 =	sadd.s32 s1, s30  }
0xc3: {  	s0 =	sor.u32 s3, s0;
	s1 =	sshll.u32 s1, $0x11  }
0xc4: {  	s0 =	sor.u32 s1, s0  }
0xc5: {  	s0 =	sadd.s32 $0x8F2B, s0  }
0xc6: {  	[sflag:s0] =	ssyncadd.remote.s32 $0x1  }
0xc7: {  	_ =	sfence.sel $0xFFFF  }
0xc8: {  	[dreg:$0x0] =	wrdreg $0xFFFFFFFF;
	(pc) =	sbr.abs _section_cstart, $3  }
0xc9: {  	[dreg:$0x1] =	wrdreg $0xFFFFFFFF  }
0xca: {  	_ =	task.clear_ibuf [dreg:s12], $0x2FFFF;
	_ =	strace $0x9FFFFFFF  }
0xcb: {  	(tm) =	ssettm $0x7FFFFFFF  }
tec
execute0_lowered:
.L_overlay_start_1:
0x0: {  	(tag) =	ssettag $0x1  }
0x1: {  	s0 =	rddreg [dreg:$0x0]  }
0x2: {  	s7 =	rddreg [dreg:$0x1]  }
0x3: {  	s1 =	rddreg [dreg:$0x2]  }
0x4: {  	s2 =	rddreg [dreg:$0x5];
	s3 =	srdreg.scid  }
0x5: {  	s4 =	stileid.u32;
	s6 =	simm.s32 $0x0;
	s3 =	sand.u32 $0x1, s3  }
0x6: {  	v0 =	vimm.s32 $0xEFCDAB89;
	v1 =	vimm.s32 $0x67452301;
	s4 =	sshll.u32 s4, $0x8;
	[smem:$0x7FF] =	sst s6;
	s28 =	sadd.s32 $0x100, s7  }
0x7: {  	v3 =	vimm.s32 $0xDCFE98BA;
	v0 =	vunpack.c.l.s4.s8 v0;
	v1 =	vunpack.c.l.s4.s8 v1;
	s29 =	sadd.s32 $0x200, s7;
	s30 =	sadd.s32 $0x300, s7;
	s5 =	sshll.u32 s3, $0x7  }
0x8: {  	v2 =	vlaneseq.u32;
	v4 =	vimm.s32 $0x54761032;
	v5 =	vimm.s32 $0xBA98FEDC;
	_ =	strace $0x80000047;
	[dreg:$0x16] =	wrdreg s28;
	s4 =	sor.u32 s5, s4  }
0x9: {  	v3 =	vunpack.c.l.s4.s8 v3;
	s3 =	ssub.s32 $0x2, s3;
	[dreg:$0x17] =	wrdreg s29;
	v0 =	vunpack.c.0.s8.s32 v0;
	v1 =	vunpack.c.0.s8.s32 v1;
	s21 =	sshrl.u32 s4, $0x3  }
0xa: {  	v6 =	vimm.s32 $0x32107654;
	v4 =	vunpack.c.l.s4.s8 v4;
	v5 =	vunpack.c.l.s4.s8 v5;
	[dreg:$0x18] =	wrdreg s30;
	s23 =	sshll.u32 s4, $0x7;
	s22 =	sadd.s32 s0, s21  }
0xb: {  	s20 =	sshrl.u32 s3, $0x1;
	s1 =	sadd.s32 s1, s23;
	v7 =	vcombine.low v1, v0;
	v0 =	vunpack.c.0.s8.s32 v3;
	v1 =	vunpack.c.l.s4.s8 v6;
	[dreg:$0x10] =	wrdreg s22  }
0xc: {  	s3 =	ssub.s32 s3, s20;
	s0 =	sadd.s32 s2, s23;
	v3 =	vunpack.c.0.s8.s32 v4;
	v4 =	vunpack.c.0.s8.s32 v5;
	v5 =	vimm.s32 $0xFEDCBA98;
	[dreg:$0x13] =	wrdreg s1  }
0xd: {  	s31 =	smax.u32 s3, $0x1;
	v6 =	vimm.s32 $0x76543210;
	[dreg:$0x19] =	wrdreg s0;
	v5 =	vunpack.c.l.s4.s8 v5;
	v1 =	vunpack.c.0.s8.s32 v1  }
0xe: {  	vm0 =	vmmov $0xffff;
	s24 =	sadd.s32 $0x200, s22;
	[dreg:$0x1a] =	wrdreg s31;
	v8 =	vcombine.low v3, v0;
	v3 =	vunpack.c.l.s4.s8 v6  }
0xf: {  	s25 =	sadd.s32 $0x400, s22;
	[dreg:$0x11] =	wrdreg s24;
	v0 =	vand.u32 $0x7, v2;
	v6 =	vcombine.low v1, v4;
	v4 =	vunpack.c.0.s8.s32 v5  }
0x10: {  	s26 =	sadd.s32 $0x600, s22;
	[dreg:$0x12] =	wrdreg s25;
	v1 =	vshrl.u32 v2, $0x3;
	v9 =	vunpack.c.0.s8.s32 v3;
	v2 =	vor.u32 $0x8, v2  }
0x11: {  	s1 =	sadd.s32 $0x800, s1;
	[dreg:$0x14] =	wrdreg s26;
	v3 =	vand.u32 $0xF, v7;
	v1 =	vmul.u32 $0x8, v1;
	v7 =	vand.u32 $0xF, v4  }
0x12: {  	s2 =	simm.s32 $0x0;
	[dreg:$0x15] =	wrdreg s1;
	v4 =	vand.u32 $0xF, v8;
	v5 =	vand.u32 $0xF, v6;
	v6 =	vcombine.low v7, v9  }
.LBB2_1:
0x13: {  	[dreg:$0x1b] =	wrdreg s2  }
0x14: {  	s0 =	rddreg [dreg:$0x3]  }
0x15: {  	s1 =	simm.s32 $0x0;
	s28 =	simm.s32 $0x18200;
	s29 =	simm.s32 $0xB  }
0x16: {  	[tilespmem:s28], [sflag:$0xB] =	stream.linear.gather [hbm4b:s0+s1], $0x400, $0x38;
	[tilespmem:$0x18A00] =	vst v63  }
0x17: {  	_ =	swait.ge [sflag:s29], $0x400  }
0x18: {  	[sflag:s29] =	ssyncset.done $0x0  }
0x19: {  	[sflag:s29] =	ssyncadd.s32 $0xFFFFFC00  }
0x1a: {  	s3 =	simm.s32 $0x18600;
	s30 =	rddreg [dreg:$0x4]  }
0x1b: {  	[tilespmem:s3], [sflag:$0xB] =	stream.linear.gather [hbm4b:s30+s1], $0x400, $0x38;
	[tilespmem:$0x18A00] =	vst v63  }
0x1c: {  	_ =	swait.ge [sflag:s29], $0x400  }
0x1d: {  	[sflag:s29] =	ssyncset.done $0x0  }
0x1e: {  	s31 =	rddreg [dreg:$0x10];
	[sflag:s29] =	ssyncadd.s32 $0xFFFFFC00  }
0x1f: {  	[tilespmem:s1], [sflag:$0xB] =	stream.linear.gather [hbm4b:s31+s1], $0x80, $0x38;
	[tilespmem:$0x18A00] =	vst v63  }
0x20: {  	_ =	swait.ge [sflag:s29], $0x80  }
0x21: {  	[sflag:s29] =	ssyncset.done $0x0  }
0x22: {  	s4 =	simm.s32 $0x80;
	s3 =	rddreg [dreg:$0x11];
	[sflag:s29] =	ssyncadd.s32 $0xFFFFFF80  }
0x23: {  	[tilespmem:s4], [sflag:$0xB] =	stream.linear.gather [hbm4b:s3+s1], $0x80, $0x38;
	[tilespmem:$0x18A00] =	vst v63  }
0x24: {  	_ =	swait.ge [sflag:s29], $0x80  }
0x25: {  	[sflag:s29] =	ssyncset.done $0x0  }
0x26: {  	s6 =	simm.s32 $0x100;
	s5 =	rddreg [dreg:$0x12];
	[sflag:s29] =	ssyncadd.s32 $0xFFFFFF80  }
0x27: {  	[tilespmem:s6], [sflag:$0xB] =	stream.linear.gather [hbm4b:s5+s1], $0x80, $0x38;
	[tilespmem:$0x18A00] =	vst v63  }
0x28: {  	_ =	swait.ge [sflag:s29], $0x80  }
0x29: {  	[sflag:s29] =	ssyncset.done $0x0  }
0x2a: {  	s8 =	simm.s32 $0x180;
	s7 =	rddreg [dreg:$0x14];
	[sflag:s29] =	ssyncadd.s32 $0xFFFFFF80  }
0x2b: {  	[tilespmem:s8], [sflag:$0xB] =	stream.linear.gather [hbm4b:s7+s1], $0x80, $0x38;
	[tilespmem:$0x18A00] =	vst v63  }
0x2c: {  	_ =	swait.ge [sflag:s29], $0x80  }
0x2d: {  	[sflag:s29] =	ssyncset.done $0x0  }
0x2e: {  	s10 =	simm.s32 $0x10200;
	s9 =	rddreg [dreg:$0x13];
	[sflag:s29] =	ssyncadd.s32 $0xFFFFFF80  }
0x2f: {  	[tilespmem:s10], [sflag:$0x9] =	stream.linear.gather [hbm4b:s9+s1], $0x4000, $0x38;
	[tilespmem:$0x18A00] =	vst v63  }
0x30: {  	s12 =	simm.s32 $0x14200;
	s11 =	rddreg [dreg:$0x15]  }
0x31: {  	[tilespmem:s12], [sflag:$0xA] =	stream.linear.gather [hbm4b:s11+s1], $0x4000, $0x38;
	[tilespmem:$0x18A00] =	vst v63  }
0x32: {  	v7 =	vld [tilespmem:$0x0];
	_ =	sdelay $0x4  }
0x33: {  	v8 =	vshll.u32 v7, $0x3  }
0x34: {  	v7 =	vand.u32 $0x7, v7;
	v8 =	vand.u32 $0xFFFFFFC0, v8  }
0x35: {  	v7 =	vor.u32 v7, v8  }
0x36: {  	v8 =	vperm.xlane v7, v0;
	_ =	sdelay $0x1  }
0x37: {  	v8 =	vadd.s32 v1, v8;
	_ =	sdelay $0x3  }
0x38: {  	s14 =	simm.s32 $0x200;
	s13 =	rddreg [dreg:$0x1]  }
0x39: {  	[tilespmem:s14], [sflag:$0x1] =	stream.indirect_vreg.gather [hbm4b:s13+s1], $0x80, v8, vm0, $0xb8;
	[tilespmem:$0x18A00] =	vst v63  }
0x3a: {  	s16 =	simm.s32 $0xA00;
	s15 =	rddreg [dreg:$0x16];
	v7 =	vperm.xlane v7, v2  }
0x3b: {  	[tilespmem:s16], [sflag:$0x1] =	stream.indirect_vreg.gather [hbm4b:s15+s1], $0x80, v8, vm0, $0xb8;
	[tilespmem:$0x18A00] =	vst v63  }
0x3c: {  	s4 =	simm.s32 $0x1200;
	s17 =	rddreg [dreg:$0x17];
	v7 =	vadd.s32 v1, v7  }
0x3d: {  	[tilespmem:s4], [sflag:$0x1] =	stream.indirect_vreg.gather [hbm4b:s17+s1], $0x80, v8, vm0, $0xb8;
	[tilespmem:$0x18A00] =	vst v63  }
0x3e: {  	s5 =	simm.s32 $0x1A00;
	s18 =	rddreg [dreg:$0x18]  }
0x3f: {  	[tilespmem:s5], [sflag:$0x1] =	stream.indirect_vreg.gather [hbm4b:s18+s1], $0x80, v8, vm0, $0xb8;
	[tilespmem:$0x18A00] =	vst v63  }
0x40: {  	s19 =	simm.s32 $0x2200  }
0x41: {  	[tilespmem:s19], [sflag:$0x1] =	stream.indirect_vreg.gather [hbm4b:s13+s1], $0x80, v7, vm0, $0xb8;
	[tilespmem:$0x18A00] =	vst v63  }
0x42: {  	s20 =	simm.s32 $0x2A00  }
0x43: {  	[tilespmem:s20], [sflag:$0x1] =	stream.indirect_vreg.gather [hbm4b:s15+s1], $0x80, v7, vm0, $0xb8;
	[tilespmem:$0x18A00] =	vst v63  }
0x44: {  	s21 =	simm.s32 $0x3200  }
0x45: {  	[tilespmem:s21], [sflag:$0x1] =	stream.indirect_vreg.gather [hbm4b:s17+s1], $0x80, v7, vm0, $0xb8;
	[tilespmem:$0x18A00] =	vst v63  }
0x46: {  	s22 =	simm.s32 $0x3A00  }
0x47: {  	[tilespmem:s22], [sflag:$0x1] =	stream.indirect_vreg.gather [hbm4b:s18+s1], $0x80, v7, vm0, $0xb8;
	[tilespmem:$0x18A00] =	vst v63  }
0x48: {  	v7 =	vld [tilespmem:$0x80];
	_ =	sdelay $0x4  }
0x49: {  	v8 =	vshll.u32 v7, $0x3  }
0x4a: {  	v7 =	vand.u32 $0x7, v7;
	v8 =	vand.u32 $0xFFFFFFC0, v8  }
0x4b: {  	v7 =	vor.u32 v7, v8  }
0x4c: {  	v8 =	vperm.xlane v7, v0;
	_ =	sdelay $0x1  }
0x4d: {  	v8 =	vadd.s32 v1, v8;
	_ =	sdelay $0x3  }
0x4e: {  	s23 =	simm.s32 $0x4200  }
0x4f: {  	[tilespmem:s23], [sflag:$0x2] =	stream.indirect_vreg.gather [hbm4b:s13+s1], $0x80, v8, vm0, $0xb8;
	[tilespmem:$0x18A00] =	vst v63  }
0x50: {  	s24 =	simm.s32 $0x4A00;
	v7 =	vperm.xlane v7, v2  }
0x51: {  	[tilespmem:s24], [sflag:$0x2] =	stream.indirect_vreg.gather [hbm4b:s15+s1], $0x80, v8, vm0, $0xb8;
	[tilespmem:$0x18A00] =	vst v63  }
0x52: {  	s25 =	simm.s32 $0x5200;
	v7 =	vadd.s32 v1, v7  }
0x53: {  	[tilespmem:s25], [sflag:$0x2] =	stream.indirect_vreg.gather [hbm4b:s17+s1], $0x80, v8, vm0, $0xb8;
	[tilespmem:$0x18A00] =	vst v63  }
0x54: {  	s26 =	simm.s32 $0x5A00  }
0x55: {  	[tilespmem:s26], [sflag:$0x2] =	stream.indirect_vreg.gather [hbm4b:s18+s1], $0x80, v8, vm0, $0xb8;
	[tilespmem:$0x18A00] =	vst v63  }
0x56: {  	s28 =	simm.s32 $0x6200  }
0x57: {  	[tilespmem:s28], [sflag:$0x2] =	stream.indirect_vreg.gather [hbm4b:s13+s1], $0x80, v7, vm0, $0xb8;
	[tilespmem:$0x18A00] =	vst v63  }
0x58: {  	s29 =	simm.s32 $0x6A00  }
0x59: {  	[tilespmem:s29], [sflag:$0x2] =	stream.indirect_vreg.gather [hbm4b:s15+s1], $0x80, v7, vm0, $0xb8;
	[tilespmem:$0x18A00] =	vst v63  }
0x5a: {  	s30 =	simm.s32 $0x7200  }
0x5b: {  	[tilespmem:s30], [sflag:$0x2] =	stream.indirect_vreg.gather [hbm4b:s17+s1], $0x80, v7, vm0, $0xb8;
	[tilespmem:$0x18A00] =	vst v63  }
0x5c: {  	s31 =	simm.s32 $0x7A00;
	s8 =	simm.s32 $0x0  }
0x5d: {  	[tilespmem:s31], [sflag:$0x2] =	stream.indirect_vreg.gather [hbm4b:s18+s1], $0x80, v7, vm0, $0xb8;
	[tilespmem:$0x18A00] =	vst v63  }
.LBB2_2:
0x5e: {  	p0 =	sgt.u32 s8, $0x1D  }
0x5f: {  	s0 =	sadd.s32 @!p0 $0x2, s8  }
0x60: {  	s1 =	sand.u32 @!p0 $0x3, s0;
	s0 =	sshll.u32 @!p0 s0, $0x2  }
0x61: {  	s2 =	sshll.u32 @!p0 s1, $0x7;
	s0 =	sand.u32 @!p0 $0xF0, s0  }
0x62: {  	s0 =	sadd.s32 @!p0 s0, s2  }
0x63: {  	v7 =	vld @!p0 [tilespmem:s0+$0x0];
	_ =	sdelay $0x4  }
0x64: {  	v8 =	vshll.u32 @!p0 v7, $0x3  }
0x65: {  	v9 =	vlaneseq.u32 @!p0;
	v7 =	vand.u32 @!p0 $0x7, v7;
	v8 =	vand.u32 @!p0 $0xFFFFFFC0, v8  }
0x66: {  	v10 =	vshrl.u32 @!p0 v9, $0x3;
	v7 =	vor.u32 @!p0 v7, v8;
	v8 =	vand.u32 @!p0 $0x7, v9  }
0x67: {  	v10 =	vmul.u32 @!p0 $0x8, v10;
	v8 =	vperm.xlane @!p0 v7, v8;
	_ =	sdelay $0x1  }
0x68: {  	v8 =	vadd.s32 @!p0 v10, v8;
	_ =	sdelay $0x2  }
0x69: {  	s4 =	rddreg [dreg:$0x1];
	s0 =	sshll.u32 @!p0 s1, $0xE  }
0x6a: {  	vm1 =	vmmov @!p0 $0xffff;
	s3 =	simm.s32 @!p0 $0x0;
	s1 =	sadd.s32 @!p0 $0x1, s1;
	s2 =	sor.u32 @!p0 $0x200, s0  }
0x6b: {  	v9 =	vor.u32 @!p0 $0x8, v9;
	[tilespmem:s2], [sflag:s1] =	stream.indirect_vreg.gather @!p0 [hbm4b:s4+s3], $0x80, v8, vm1, $0xb8;
	[tilespmem:$0x18A00] =	vst v63  }
0x6c: {  	s5 =	rddreg [dreg:$0x16];
	v7 =	vperm.xlane @!p0 v7, v9;
	s2 =	sor.u32 @!p0 $0xA00, s0  }
0x6d: {  	[tilespmem:s2], [sflag:s1] =	stream.indirect_vreg.gather @!p0 [hbm4b:s5+s3], $0x80, v8, vm1, $0xb8;
	[tilespmem:$0x18A00] =	vst v63  }
0x6e: {  	s6 =	rddreg [dreg:$0x17];
	v7 =	vadd.s32 @!p0 v10, v7;
	s2 =	sor.u32 @!p0 $0x1200, s0  }
0x6f: {  	[tilespmem:s2], [sflag:s1] =	stream.indirect_vreg.gather @!p0 [hbm4b:s6+s3], $0x80, v8, vm1, $0xb8;
	[tilespmem:$0x18A00] =	vst v63  }
0x70: {  	s7 =	rddreg [dreg:$0x18];
	s2 =	sor.u32 @!p0 $0x1A00, s0  }
0x71: {  	[tilespmem:s2], [sflag:s1] =	stream.indirect_vreg.gather @!p0 [hbm4b:s7+s3], $0x80, v8, vm1, $0xb8;
	[tilespmem:$0x18A00] =	vst v63  }
0x72: {  	s2 =	sor.u32 @!p0 $0x2200, s0  }
0x73: {  	[tilespmem:s2], [sflag:s1] =	stream.indirect_vreg.gather @!p0 [hbm4b:s4+s3], $0x80, v7, vm1, $0xb8;
	[tilespmem:$0x18A00] =	vst v63  }
0x74: {  	s2 =	sor.u32 @!p0 $0x2A00, s0  }
0x75: {  	[tilespmem:s2], [sflag:s1] =	stream.indirect_vreg.gather @!p0 [hbm4b:s5+s3], $0x80, v7, vm1, $0xb8;
	[tilespmem:$0x18A00] =	vst v63  }
0x76: {  	s2 =	sor.u32 @!p0 $0x3200, s0  }
0x77: {  	[tilespmem:s2], [sflag:s1] =	stream.indirect_vreg.gather @!p0 [hbm4b:s6+s3], $0x80, v7, vm1, $0xb8;
	[tilespmem:$0x18A00] =	vst v63  }
0x78: {  	s28 =	sand.u32 $0x3, s8;
	s0 =	sor.u32 @!p0 $0x3A00, s0  }
0x79: {  	[tilespmem:s0], [sflag:s1] =	stream.indirect_vreg.gather @!p0 [hbm4b:s7+s3], $0x80, v7, vm1, $0xb8;
	[tilespmem:$0x18A00] =	vst v63  }
0x7a: {  	s29 =	sadd.s32 $0x1, s28;
	_ =	strace $0x80000048  }
0x7b: {  	_ =	swait.ge [sflag:s29], $0x4000  }
0x7c: {  	s30 =	sshrl.u32 s8, $0x2;
	[sflag:s29] =	ssyncset.done $0x0  }
0x7d: {  	s0 =	sand.u32 $0x1, s30;
	[dreg:$0x1c] =	wrdreg s8;
	[sflag:s29] =	ssyncadd.s32 $0xFFFFC000  }
0x7e: {  	p0 =	sne.s32 s28, $0x0;
	_ =	strace $0x90000048;
	[dreg:$0x1e] =	wrdreg s30  }
0x7f: {  	s1 =	sadd.s32 @!p0 $0x9, s0;
	_ =	strace $0x80000049  }
0x80: {  	_ =	swait.ge @!p0 [sflag:s1], $0x4000  }
0x81: {  	[sflag:s1] =	ssyncset.done @!p0 $0x0  }
0x82: {  	[sflag:s1] =	ssyncadd.s32 @!p0 $0xFFFFC000  }
0x83: {  	s0 =	sshll.u32 s0, $0xE;
	_ =	strace $0x90000049  }
0x84: {  	_ =	strace $0x8000004A;
	[smem:$0x7FD] =	sst s0  }
0x85: {  	s31 =	sshll.u32 s28, $0xE;
	[dreg:$0x1d] =	wrdreg s28  }
0x86: {  	s3 =	simm.s32 $0x0;
	[dreg:$0x1f] =	wrdreg s31  }
.LBB2_3:
0x87: {  	s0 =	sshll.u32 s3, $0xC;
	s1 =	rddreg [dreg:$0x1f]  }
0x88: {  	s2 =	sld [smem:$0x7FD];
	s1 =	sadd.s32 s0, s1  }
0x89: {  	s25 =	sshll.u32 s3, $0x9;
	s1 =	sand.u32 $0xE000, s1  }
0x8a: {  	s26 =	simm.s32 $0x0;
	s19 =	sand.u32 $0x200, s25;
	s20 =	sor.u32 $0x200, s1  }
0x8b: {  	s28 =	sand.u32 $0x1C00, s26;
	s0 =	sadd.s32 s2, s0;
	s1 =	sadd.s32 s19, s20  }
0x8c: {  	s29 =	sand.u32 $0x70, s26;
	s0 =	sand.u32 $0x6000, s0;
	s4 =	sadd.s32 s28, s1  }
0x8d: {  	s21 =	sor.u32 $0x10200, s0;
	s4 =	sadd.s32 s29, s4  }
0x8e: {  	s5 =	sadd.s32 s19, s21;
	v7 =	vld [tilespmem:s4+$0x180]  }
0x8f: {  	s0 =	sadd.s32 s28, s5;
	v9 =	vld [tilespmem:s4+$0x0]  }
0x90: {  	v11 =	vld [tilespmem:s4+$0x80];
	s0 =	sadd.s32 s29, s0  }
0x91: {  	v8 =	vld [tilespmem:s0+$0x180]  }
0x92: {  	s30 =	simm.s32 $0x80;
	v10 =	vld [tilespmem:s0+$0x0]  }
0x93: {  	[smem:$0x7FC] =	sst s3;
	s6 =	simm.s32 $0x10;
	s3 =	sand.u32 $0x1C00, s30;
	v12 =	vld [tilespmem:s0+$0x80]  }
0x94: {  	s6 =	sand.u32 $0x70, s6;
	s7 =	sadd.s32 s3, s1;
	v13 =	vld [tilespmem:s4+$0x100]  }
0x95: {  	s9 =	sadd.s32 s6, s7;
	s3 =	sadd.s32 s3, s5;
	v14 =	vld [tilespmem:s0+$0x100]  }
0x96: {  	v16 =	vld [tilespmem:s9+$0x180];
	s0 =	sadd.s32 s6, s3  }
0x97: {  	v19 =	vld [tilespmem:s0+$0x180];
	v8 =	vadd.f32 v8, v7;
	v15 =	vadd.f32 v10, v9  }
0x98: {  	v7 =	vimm.f32 $0.0e+00;
	v11 =	vadd.f32 v12, v11  }
0x99: {  	v20 =	vld [tilespmem:s9+$0x0];
	v10 =	vmul.f32 v8, v8;
	v9 =	vadd.f32 v8, v7;
	v8 =	vmul.f32 v15, v15  }
0x9a: {  	v22 =	vld [tilespmem:s0+$0x0];
	v13 =	vadd.f32 v14, v13;
	v17 =	vadd.f32 v15, v7  }
0x9b: {  	s3 =	simm.s32 $0x100;
	v21 =	vld [tilespmem:s0+$0x80];
	v14 =	vadd.f32 v11, v7;
	v18 =	vadd.f32 v8, v7;
	v8 =	vmul.f32 v11, v11  }
0x9c: {  	s31 =	simm.s32 $0x20;
	s6 =	sand.u32 $0x1C00, s3;
	v15 =	vld [tilespmem:s9+$0x80];
	v10 =	vadd.f32 v10, v7;
	v11 =	vadd.f32 v19, v16  }
0x9d: {  	s7 =	sand.u32 $0x70, s31;
	s4 =	simm.s32 $0x30;
	s8 =	sadd.s32 s6, s1;
	v12 =	vld [tilespmem:s9+$0x100];
	v19 =	vmul.f32 v13, v13;
	v16 =	vadd.f32 v8, v7;
	v8 =	vimm.f32 $0.0e+00  }
.LBB2_4:
0x9e: {  	p0 =	sne.s32 s4, $0x3F0;
	s9 =	sadd.s32 s7, s8;
	s6 =	sadd.s32 s6, s5;
	v23 =	vld [tilespmem:s0+$0x100];
	v7 =	vadd.f32 v13, v7  }
0x9f: {  	s0 =	sadd.s32 s7, s6;
	v24 =	vld [tilespmem:s9+$0x180];
	v13 =	vadd.f32 v22, v20;
	v22 =	vmul.f32 v11, v11;
	v8 =	vadd.f32 v19, v8  }
0xa0: {  	v9 =	vadd.f32 v11, v9;
	v19 =	vld [tilespmem:s0+$0x180]  }
.Ltmp0:
0xa1: {  	v20 =	vld [tilespmem:s9+$0x0];
	v11 =	vmul.f32 v13, v13;
	v25 =	vadd.f32 v21, v15;
	v10 =	vadd.f32 v22, v10;
	(pc) =	sbr.rel @p0 .LBB2_4-.Ltmp0, $4  }
0xa2: {  	v17 =	vadd.f32 v13, v17;
	v22 =	vld [tilespmem:s0+$0x0]  }
0xa3: {  	s3 =	sadd.s32 $0x80, s3;
	v15 =	vld [tilespmem:s9+$0x80];
	v18 =	vadd.f32 v11, v18;
	v26 =	vmul.f32 v25, v25;
	v13 =	vadd.f32 v23, v12  }
0xa4: {  	s6 =	sand.u32 $0x1C00, s3;
	v14 =	vadd.f32 v25, v14;
	v21 =	vld [tilespmem:s0+$0x80]  }
0xa5: {  	s7 =	sand.u32 $0x70, s4;
	s4 =	sadd.s32 $0x10, s4;
	s8 =	sadd.s32 s6, s1;
	v12 =	vld [tilespmem:s9+$0x100];
	v11 =	vadd.f32 v19, v24;
	v16 =	vadd.f32 v26, v16;
	v19 =	vmul.f32 v13, v13  }
0xa6: {  	s3 =	sadd.s32 s7, s8;
	s1 =	sadd.s32 s6, s5  }
0xa7: {  	s1 =	sadd.s32 s7, s1;
	v23 =	vld [tilespmem:s3+$0x0]  }
0xa8: {  	v24 =	vld [tilespmem:s1+$0x0];
	_ =	sdelay $0x2  }
0xa9: {  	v20 =	vadd.f32 v22, v20;
	_ =	sdelay $0x1  }
0xaa: {  	v22 =	vmul.f32 v20, v20;
	v17 =	vadd.f32 v20, v17;
	v23 =	vadd.f32 v24, v23;
	_ =	sdelay $0x1  }
0xab: {  	v18 =	vadd.f32 v22, v18;
	v20 =	vmul.f32 v23, v23;
	v17 =	vadd.f32 v23, v17;
	_ =	sdelay $0x1  }
0xac: {  	v18 =	vadd.f32 v20, v18;
	v20 =	vperm.xlane v17, v3  }
0xad: {  	v23 =	vld [tilespmem:s3+$0x80]  }
0xae: {  	v22 =	vperm.xlane v18, v3;
	v17 =	vadd.f32 v20, v17;
	v20 =	vld [tilespmem:s1+$0x80];
	_ =	sdelay $0x1  }
0xaf: {  	v18 =	vadd.f32 v22, v18;
	v22 =	vperm.xlane v17, v4  }
0xb0: {  	v15 =	vadd.f32 v21, v15  }
0xb1: {  	v21 =	vperm.xlane v18, v4;
	v17 =	vadd.f32 v22, v17  }
0xb2: {  	v14 =	vadd.f32 v15, v14;
	v22 =	vmul.f32 v15, v15;
	v15 =	vadd.f32 v20, v23  }
0xb3: {  	v18 =	vadd.f32 v21, v18;
	v20 =	vperm.xlane v17, v5  }
0xb4: {  	v16 =	vadd.f32 v22, v16;
	v22 =	vmul.f32 v15, v15  }
0xb5: {  	v14 =	vadd.f32 v15, v14;
	v21 =	vperm.xlane v18, v5;
	v15 =	vadd.f32 v20, v17;
	_ =	sdelay $0x1  }
0xb6: {  	v17 =	vadd.f32 v21, v18;
	v18 =	vld [tilespmem:s0+$0x100];
	v20 =	vperm.xlane v15, v6;
	v21 =	vperm.xlane v14, v3  }
0xb7: {  	v16 =	vadd.f32 v22, v16  }
0xb8: {  	v24 =	vld [tilespmem:s1+$0x100];
	v23 =	vperm.xlane v17, v6;
	v15 =	vadd.f32 v20, v15;
	v14 =	vadd.f32 v21, v14  }
0xb9: {  	v13 =	vadd.f32 v13, v7;
	v8 =	vadd.f32 v19, v8;
	v22 =	vld [tilespmem:s3+$0x100];
	v20 =	vperm.xlane v16, v3  }
0xba: {  	v17 =	vadd.f32 v23, v17;
	v7 =	vmul.f32 $9.765625000e-04, v15;
	v15 =	vperm.xlane v14, v4  }
0xbb: {  	v16 =	vadd.f32 v20, v16;
	v12 =	vadd.f32 v18, v12  }
0xbc: {  	v17 =	vmul.f32 $9.765625000e-04, v17;
	v18 =	vmul.f32 v7, v7;
	v14 =	vadd.f32 v15, v14  }
0xbd: {  	v15 =	vperm.xlane v16, v4;
	v19 =	vmul.f32 v12, v12;
	v12 =	vadd.f32 v12, v13  }
0xbe: {  	v13 =	vadd.f32 v24, v22;
	v17 =	vsub.f32 v17, v18  }
0xbf: {  	v18 =	vperm.xlane v14, v5;
	v15 =	vadd.f32 v15, v16;
	v8 =	vadd.f32 v19, v8  }
0xc0: {  	v16 =	vmul.f32 v13, v13;
	v12 =	vadd.f32 v13, v12;
	v13 =	vadd.f32 $9.999999960e-13, v17  }
0xc1: {  	v14 =	vadd.f32 v18, v14;
	v17 =	vperm.xlane v15, v5  }
0xc2: {  	v8 =	vadd.f32 v16, v8;
	v16 =	vperm.xlane v12, v3;
	v18 =	vshrl.u32 v13, $0x1  }
0xc3: {  	v19 =	vperm.xlane v14, v6;
	v15 =	vadd.f32 v17, v15;
	v13 =	vmul.f32 $5.000000000e-01, v13  }
0xc4: {  	v12 =	vadd.f32 v16, v12;
	v16 =	vperm.xlane v8, v3;
	v17 =	vsub.s32 $0x5F3759DF, v18  }
0xc5: {  	v14 =	vadd.f32 v19, v14;
	v18 =	vperm.xlane v15, v6;
	v19 =	vmul.f32 v17, v13  }
0xc6: {  	v20 =	vperm.xlane v12, v4;
	v16 =	vadd.f32 v16, v8  }
0xc7: {  	v8 =	vmul.f32 $9.765625000e-04, v14;
	v14 =	vadd.f32 v18, v15;
	v15 =	vld [tilespmem:s3+$0x180];
	v18 =	vmul.f32 v17, v19  }
0xc8: {  	v12 =	vadd.f32 v20, v12;
	v19 =	vperm.xlane v16, v4;
	v20 =	vld [tilespmem:s1+$0x180]  }
0xc9: {  	v14 =	vmul.f32 $9.765625000e-04, v14;
	v21 =	vmul.f32 v8, v8;
	v18 =	vsub.f32 $1.500000000e+00, v18  }
0xca: {  	v22 =	vperm.xlane v12, v5;
	v16 =	vadd.f32 v19, v16;
	v19 =	vmul.f32 v11, v11  }
0xcb: {  	v9 =	vadd.f32 v11, v9;
	v14 =	vsub.f32 v14, v21;
	v17 =	vmul.f32 v17, v18  }
0xcc: {  	v11 =	vadd.f32 v22, v12;
	v12 =	vperm.xlane v16, v5;
	v10 =	vadd.f32 v19, v10  }
0xcd: {  	v14 =	vadd.f32 $9.999999960e-13, v14;
	v15 =	vadd.f32 v20, v15  }
0xce: {  	v18 =	vperm.xlane v11, v6;
	v12 =	vadd.f32 v12, v16;
	v16 =	vmul.f32 v17, v13  }
0xcf: {  	v19 =	vshrl.u32 v14, $0x1;
	v14 =	vmul.f32 $5.000000000e-01, v14;
	v20 =	vmul.f32 v15, v15  }
0xd0: {  	v19 =	vsub.s32 $0x5F3759DF, v19;
	v11 =	vadd.f32 v18, v11;
	v18 =	vperm.xlane v12, v6  }
0xd1: {  	v15 =	vadd.f32 v15, v9;
	v16 =	vmul.f32 v16, v17;
	v21 =	vmul.f32 v19, v14  }
0xd2: {  	v10 =	vadd.f32 v20, v10;
	v9 =	vmul.f32 $9.765625000e-04, v11;
	v11 =	vadd.f32 v18, v12  }
0xd3: {  	v18 =	vperm.xlane v15, v3;
	v16 =	vsub.f32 $1.500000000e+00, v16;
	v12 =	vmul.f32 v19, v21  }
0xd4: {  	v11 =	vmul.f32 $9.765625000e-04, v11;
	v20 =	vmul.f32 v9, v9  }
0xd5: {  	v15 =	vadd.f32 v18, v15;
	v18 =	vperm.xlane v10, v3;
	v16 =	vmul.f32 v16, v17  }
0xd6: {  	v12 =	vsub.f32 $1.500000000e+00, v12;
	v11 =	vsub.f32 v11, v20  }
0xd7: {  	s14 =	simm.s32 $0x0;
	v17 =	vperm.xlane v15, v4;
	v10 =	vadd.f32 v18, v10;
	v13 =	vmul.f32 v16, v13  }
0xd8: {  	s4 =	sand.u32 $0x1C00, s14;
	s24 =	sand.u32 $0x40, s14;
	v12 =	vmul.f32 v19, v12;
	v11 =	vadd.f32 $9.999999960e-13, v11  }
0xd9: {  	s9 =	sadd.s32 s4, s21;
	s0 =	sand.u32 $0x380, s14;
	s1 =	sor.u32 $0x30, s24;
	v15 =	vadd.f32 v17, v15;
	v17 =	vperm.xlane v10, v4;
	v13 =	vmul.f32 v13, v16  }
0xda: {  	s5 =	sadd.s32 s4, s20;
	s22 =	sadd.s32 s19, s9;
	s18 =	sor.u32 s0, s1;
	v18 =	vmul.f32 v12, v14;
	v19 =	vshrl.u32 v11, $0x1;
	v20 =	vmul.f32 $5.000000000e-01, v11  }
0xdb: {  	s15 =	sadd.s32 s19, s5;
	s23 =	sadd.s32 s1, s22;
	v24 =	vld [tilespmem:s18+$0x18200];
	v11 =	vperm.xlane v15, v5;
	v10 =	vadd.f32 v17, v10;
	v19 =	vsub.s32 $0x5F3759DF, v19  }
0xdc: {  	s11 =	sadd.s32 s1, s15;
	v26 =	vld [tilespmem:s23+$0x0];
	v18 =	vmul.f32 v18, v12;
	v17 =	vmul.f32 v19, v20  }
0xdd: {  	v21 =	vld [tilespmem:s11+$0x0];
	v13 =	vsub.f32 $1.500000000e+00, v13;
	v15 =	vadd.f32 v11, v15;
	v11 =	vperm.xlane v10, v5  }
0xde: {  	v18 =	vsub.f32 $1.500000000e+00, v18;
	v17 =	vmul.f32 v19, v17  }
0xdf: {  	v22 =	vperm.xlane v15, v6;
	v23 =	vadd.f32 v11, v10;
	v11 =	vmul.f32 v13, v16  }
0xe0: {  	s26 =	simm.s32 $0x18200;
	v27 =	vld [tilespmem:s18+$0x18600];
	v12 =	vmul.f32 v18, v12;
	v10 =	vsub.f32 $1.500000000e+00, v17  }
0xe1: {  	v25 =	vld [tilespmem:s26+$0x0];
	s6 =	sor.u32 $0x10, s24;
	v13 =	vadd.f32 v22, v15;
	v15 =	vperm.xlane v23, v6;
	v18 =	vmul.f32 v24, v11  }
0xe2: {  	s13 =	sor.u32 s0, s6;
	v21 =	vadd.f32 v26, v21;
	v14 =	vmul.f32 v12, v14;
	v16 =	vmul.f32 v19, v10  }
0xe3: {  	s10 =	sadd.s32 s24, s15;
	v17 =	vld [tilespmem:s13+$0x18200];
	v10 =	vmul.f32 $9.765625000e-04, v13;
	v13 =	vadd.f32 v15, v23;
	v19 =	vmul.f32 v18, v7  }
0xe4: {  	s28 =	sadd.s32 s24, s22;
	v26 =	vld [tilespmem:s10+$0x0];
	v18 =	vmul.f32 v21, v18;
	v15 =	vmul.f32 v16, v20  }
0xe5: {  	s31 =	sadd.s32 s6, s22;
	v21 =	vld [tilespmem:s28+$0x0];
	v13 =	vmul.f32 $9.765625000e-04, v13;
	v22 =	vmul.f32 v10, v10;
	v19 =	vsub.f32 v27, v19  }
0xe6: {  	s12 =	sadd.s32 s6, s15;
	v28 =	vld [tilespmem:s31+$0x0];
	v29 =	vmul.f32 v25, v11;
	v14 =	vmul.f32 v14, v12  }
0xe7: {  	s25 =	simm.s32 $0x18600;
	s2 =	sor.u32 $0x80, s19;
	v15 =	vmul.f32 v15, v16;
	v13 =	vsub.f32 v13, v22;
	v22 =	vld [tilespmem:s12+$0x0];
	v18 =	vadd.f32 v18, v19  }
0xe8: {  	s16 =	sadd.s32 s2, s9;
	v23 =	vld [tilespmem:s25+$0x0];
	v14 =	vsub.f32 $1.500000000e+00, v14;
	v32 =	vmul.f32 v17, v11  }
0xe9: {  	s4 =	sadd.s32 s2, s5;
	s18 =	sadd.s32 s1, s16;
	v33 =	vmul.f32 v29, v7;
	v19 =	vld [tilespmem:s13+$0x18600];
	v15 =	vsub.f32 $1.500000000e+00, v15;
	v13 =	vadd.f32 $9.999999960e-13, v13;
	[tilespmem:s11+$0x0] =	vst v18  }
0xea: {  	s17 =	sadd.s32 s1, s4;
	v12 =	vmul.f32 v14, v12;
	v21 =	vadd.f32 v21, v26;
	v26 =	vmul.f32 v32, v7;
	v30 =	vld [tilespmem:s18+$0x0];
	s18 =	sor.u32 $0x20, s24  }
0xeb: {  	v15 =	vmul.f32 v15, v16;
	v14 =	vshrl.u32 v13, $0x1;
	v16 =	vmul.f32 $5.000000000e-01, v13;
	v13 =	vld [tilespmem:s17+$0x0];
	s0 =	sor.u32 s0, s18  }
0xec: {  	v21 =	vmul.f32 v21, v29;
	s14 =	sadd.s32 s18, s15;
	v14 =	vsub.s32 $0x5F3759DF, v14;
	v22 =	vadd.f32 v28, v22;
	v18 =	vld [tilespmem:s0+$0x18200]  }
0xed: {  	v33 =	vsub.f32 v23, v33;
	s22 =	sadd.s32 s18, s22;
	v28 =	vmul.f32 v24, v12;
	v34 =	vld [tilespmem:s14+$0x0];
	v31 =	vmul.f32 v14, v16  }
0xee: {  	v29 =	vld [tilespmem:s22+$0x0];
	v26 =	vsub.f32 v19, v26;
	v20 =	vmul.f32 v15, v20;
	v22 =	vmul.f32 v22, v32  }
0xef: {  	s23 =	sadd.s32 s24, s4;
	v21 =	vadd.f32 v21, v33;
	v57 =	vmul.f32 v28, v8;
	v31 =	vmul.f32 v14, v31  }
0xf0: {  	v58 =	vld [tilespmem:s23+$0x0];
	v13 =	vadd.f32 v30, v13;
	v30 =	vmul.f32 v20, v15;
	v22 =	vadd.f32 v22, v26  }
0xf1: {  	s26 =	sadd.s32 s24, s16;
	[tilespmem:s10+$0x0] =	vst v21;
	v20 =	vld [tilespmem:s0+$0x18600];
	v26 =	vsub.f32 v27, v57;
	v21 =	vsub.f32 $1.500000000e+00, v31  }
0xf2: {  	s25 =	sadd.s32 s6, s4;
	v31 =	vld [tilespmem:s26+$0x0];
	v13 =	vmul.f32 v13, v28;
	v28 =	vsub.f32 $1.500000000e+00, v30;
	v30 =	vmul.f32 v18, v11  }
0xf3: {  	s28 =	sadd.s32 s6, s16;
	v59 =	vld [tilespmem:s25+$0x0];
	v29 =	vadd.f32 v29, v34;
	[tilespmem:s12+$0x0] =	vst v22  }
0xf4: {  	s30 =	sor.u32 $0x100, s19;
	v60 =	vld [tilespmem:s28+$0x0];
	v14 =	vmul.f32 v14, v21;
	v22 =	vadd.f32 v13, v26;
	v26 =	vmul.f32 v30, v7  }
0xf5: {  	s15 =	sadd.s32 s30, s5;
	v13 =	vmul.f32 v28, v15;
	v15 =	vmul.f32 v29, v30  }
0xf6: {  	s31 =	sadd.s32 s1, s15;
	s0 =	sadd.s32 s30, s9;
	v28 =	vmul.f32 v14, v16;
	[tilespmem:s17+$0x0] =	vst v22;
	v21 =	vsub.f32 v20, v26;
	v22 =	vmul.f32 v25, v12  }
0xf7: {  	s13 =	sadd.s32 s1, s0;
	v29 =	vmul.f32 v17, v12;
	v31 =	vadd.f32 v31, v58;
	v26 =	vld [tilespmem:s31+$0x0]  }
0xf8: {  	v30 =	vld [tilespmem:s13+$0x0];
	v28 =	vmul.f32 v28, v14;
	v15 =	vadd.f32 v15, v21;
	v21 =	vmul.f32 v22, v8  }
0xf9: {  	s3 =	sadd.s32 s18, s4;
	v61 =	vmul.f32 v29, v8;
	v32 =	vadd.f32 v60, v59  }
0xfa: {  	v35 =	vld [tilespmem:s3+$0x0];
	s12 =	sadd.s32 s24, s15;
	v28 =	vsub.f32 $1.500000000e+00, v28;
	[tilespmem:s14+$0x0] =	vst v15;
	v15 =	vsub.f32 v23, v21;
	v21 =	vmul.f32 v31, v22  }
0xfb: {  	s4 =	sadd.s32 s18, s16;
	v63 =	vld [tilespmem:s12+$0x0];
	v22 =	vmul.f32 v24, v13;
	v31 =	vsub.f32 v19, v61;
	v29 =	vmul.f32 v32, v29  }
0xfc: {  	s13 =	sadd.s32 s6, s15;
	v62 =	vld [tilespmem:s4+$0x0];
	v28 =	vmul.f32 v28, v14;
	v15 =	vadd.f32 v21, v15  }
0xfd: {  	s14 =	sadd.s32 s18, s15;
	v21 =	vmul.f32 v22, v9;
	v26 =	vadd.f32 v30, v26;
	v30 =	vld [tilespmem:s13+$0x0];
	v14 =	vadd.f32 v29, v31  }
0xfe: {  	s7 =	simm.s32 $0x40;
	s26 =	simm.s32 $0x18640;
	v29 =	vld [tilespmem:s14+$0x0];
	[tilespmem:s23+$0x0] =	vst v15  }
0xff: {  	s22 =	simm.s32 $0x200;
	s16 =	sadd.s32 s24, s0;
	s28 =	sor.u32 $0x180, s19;
	v15 =	vsub.f32 v27, v21;
	v21 =	vmul.f32 v26, v22;
	[tilespmem:s25+$0x0] =	vst v14;
	v14 =	vld [tilespmem:s26+$0x0]  }
0x100: {  	s23 =	simm.s32 $0x18240;
	v26 =	vld [tilespmem:s16+$0x0];
	s16 =	sand.u32 $0x1C00, s22;
	s22 =	sand.u32 $0x40, s7  }
0x101: {  	s17 =	sadd.s32 s6, s0;
	v22 =	vmul.f32 v18, v12;
	s25 =	sand.u32 $0x380, s7;
	v21 =	vadd.f32 v21, v15;
	v33 =	vadd.f32 v62, v35;
	v15 =	vld [tilespmem:s23+$0x0];
	s23 =	sor.u32 $0x30, s22  }
0x102: {  	s15 =	sadd.s32 s28, s5;
	v16 =	vmul.f32 v28, v16;
	v31 =	vld [tilespmem:s17+$0x0];
	s8 =	sadd.s32 s16, s20;
	s10 =	sor.u32 s25, s23  }
0x103: {  	s5 =	sadd.s32 s1, s15;
	v47 =	vmul.f32 v22, v8;
	s11 =	sadd.s32 s16, s21;
	s4 =	sadd.s32 s19, s8;
	[tilespmem:s31+$0x0] =	vst v21;
	v33 =	vmul.f32 v33, v22;
	v22 =	vld [tilespmem:s10+$0x18200]  }
0x104: {  	s26 =	sadd.s32 s19, s11;
	s17 =	sadd.s32 s23, s4;
	v48 =	vld [tilespmem:s5+$0x0];
	[dreg:$0xb] =	wrdreg s28  }
0x105: {  	s9 =	sadd.s32 s28, s9;
	v16 =	vmul.f32 v16, v28;
	v21 =	vsub.f32 v20, v47;
	s31 =	sadd.s32 s23, s26;
	v49 =	vld [tilespmem:s17+$0x0]  }
0x106: {  	v44 =	vmul.f32 v25, v13;
	s1 =	sadd.s32 s1, s9;
	v50 =	vld [tilespmem:s31+$0x0]  }
0x107: {  	v16 =	vsub.f32 $1.500000000e+00, v16;
	v21 =	vadd.f32 v33, v21;
	v38 =	vld [tilespmem:s1+$0x0];
	s1 =	sadd.s32 s22, s4  }
0x108: {  	v36 =	vmul.f32 v18, v13;
	v51 =	vmul.f32 v44, v9;
	s31 =	sor.u32 $0x10, s22;
	v45 =	vld [tilespmem:s1+$0x0]  }
0x109: {  	v16 =	vmul.f32 v16, v28;
	v28 =	vmul.f32 v17, v13;
	s16 =	sadd.s32 s31, s26;
	[tilespmem:s3+$0x0] =	vst v21;
	v21 =	vld [tilespmem:s10+$0x18600]  }
0x10a: {  	s0 =	sadd.s32 s18, s0;
	v39 =	vmul.f32 v36, v9;
	v52 =	vld [tilespmem:s16+$0x0];
	v42 =	vmul.f32 v22, v11  }
0x10b: {  	v34 =	vsub.f32 v23, v51;
	v26 =	vadd.f32 v26, v63;
	v37 =	vmul.f32 v28, v9;
	s3 =	sadd.s32 s22, s26;
	v41 =	vld [tilespmem:s0+$0x0]  }
0x10c: {  	s28 =	sor.u32 $0x20, s22;
	v17 =	vmul.f32 v17, v16;
	s10 =	sor.u32 s25, s31;
	v46 =	vld [tilespmem:s3+$0x0];
	v47 =	vmul.f32 v42, v7;
	v33 =	vadd.f32 v50, v49  }
0x10d: {  	v30 =	vadd.f32 v31, v30;
	v18 =	vmul.f32 v18, v16;
	v54 =	vmul.f32 v15, v11;
	s25 =	sor.u32 s25, s28;
	v32 =	vld [tilespmem:s10+$0x18200]  }
0x10e: {  	v26 =	vmul.f32 v26, v44;
	s16 =	sadd.s32 s31, s4;
	v44 =	vld [tilespmem:s25+$0x18200];
	v53 =	vsub.f32 v21, v47;
	v33 =	vmul.f32 v33, v42  }
0x10f: {  	v24 =	vmul.f32 v24, v16;
	s26 =	sadd.s32 s28, s26;
	v28 =	vmul.f32 v30, v28;
	v37 =	vsub.f32 v19, v37;
	v31 =	vld [tilespmem:s16+$0x0]  }
0x110: {  	v40 =	vmul.f32 v17, v10;
	v55 =	vld [tilespmem:s26+$0x0];
	v34 =	vadd.f32 v26, v34;
	v33 =	vadd.f32 v33, v53  }
0x111: {  	s0 =	sadd.s32 s2, s11;
	v26 =	vmul.f32 v54, v7;
	v30 =	vadd.f32 v38, v48;
	v38 =	vld [tilespmem:s10+$0x18600];
	[dreg:$0x9] =	wrdreg s2;
	v45 =	vadd.f32 v46, v45  }
0x112: {  	v39 =	vsub.f32 v20, v39;
	s29 =	sadd.s32 s2, s8;
	v43 =	vmul.f32 v18, v10;
	v56 =	vmul.f32 v24, v10;
	s2 =	sadd.s32 s23, s0;
	[tilespmem:s17+$0x0] =	vst v33  }
0x113: {  	s26 =	sadd.s32 s23, s29;
	v28 =	vadd.f32 v28, v37;
	v26 =	vsub.f32 v14, v26;
	v57 =	vmul.f32 v45, v54;
	v33 =	vld [tilespmem:s2+$0x0]  }
0x114: {  	s3 =	sadd.s32 s22, s29;
	v37 =	vmul.f32 v30, v24;
	v29 =	vadd.f32 v41, v29;
	v30 =	vmul.f32 v32, v11;
	v58 =	vld [tilespmem:s26+$0x0]  }
0x115: {  	v63 =	vmul.f32 v22, v12;
	v19 =	vsub.f32 v19, v40;
	v61 =	vld [tilespmem:s3+$0x0];
	s17 =	sadd.s32 s28, s4;
	v26 =	vadd.f32 v57, v26  }
0x116: {  	[tilespmem:s12+$0x0] =	vst v34;
	v31 =	vadd.f32 v52, v31;
	v29 =	vmul.f32 v29, v36;
	v60 =	vmul.f32 v30, v7;
	v59 =	vld [tilespmem:s17+$0x0]  }
0x117: {  	v20 =	vsub.f32 v20, v43;
	v27 =	vsub.f32 v27, v56;
	v62 =	vmul.f32 v44, v11;
	v45 =	vld [tilespmem:s25+$0x18600];
	s4 =	sadd.s32 s22, s0;
	[tilespmem:s1+$0x0] =	vst v26  }
0x118: {  	s10 =	sadd.s32 s6, s9;
	[tilespmem:s13+$0x0] =	vst v28;
	s13 =	sadd.s32 s18, s9;
	s9 =	sadd.s32 s24, s9;
	v29 =	vadd.f32 v29, v39;
	v26 =	vmul.f32 v31, v30;
	v31 =	vsub.f32 v38, v60;
	v28 =	vld [tilespmem:s4+$0x0]  }
0x119: {  	v56 =	vmul.f32 v15, v12;
	v52 =	vmul.f32 v63, v8;
	v50 =	vld [tilespmem:s9+$0x0];
	v33 =	vadd.f32 v33, v58  }
0x11a: {  	v24 =	vmul.f32 v32, v13;
	v53 =	vmul.f32 v62, v7;
	[tilespmem:s14+$0x0] =	vst v29;
	v29 =	vld [tilespmem:s10+$0x0];
	v31 =	vadd.f32 v26, v31  }
0x11b: {  	v35 =	vsub.f32 v21, v52;
	v30 =	vld [tilespmem:s13+$0x0];
	s4 =	sadd.s32 s31, s29;
	v42 =	vadd.f32 v55, v59;
	v33 =	vmul.f32 v33, v63  }
0x11c: {  	v49 =	vmul.f32 v44, v12;
	s14 =	sadd.s32 s31, s0;
	v43 =	vld [tilespmem:s4+$0x0];
	v55 =	vsub.f32 v45, v53;
	v59 =	vmul.f32 v56, v8;
	[tilespmem:s16+$0x0] =	vst v31  }
0x11d: {  	s1 =	sadd.s32 s28, s29;
	v31 =	vmul.f32 v42, v62;
	v57 =	vld [tilespmem:s14+$0x0];
	v40 =	vadd.f32 v28, v61;
	v33 =	vadd.f32 v33, v35  }
0x11e: {  	v37 =	vadd.f32 v37, v27;
	v27 =	vmul.f32 v44, v16;
	v36 =	vmul.f32 v32, v12;
	s25 =	sadd.s32 s30, s8;
	v47 =	vld [tilespmem:s1+$0x0];
	s16 =	sadd.s32 s24, s15;
	[dreg:$0xa] =	wrdreg s30  }
0x11f: {  	s29 =	sadd.s32 s23, s25;
	s24 =	smov.u32 s8;
	s8 =	sadd.s32 s30, s11;
	v60 =	vsub.f32 v14, v59;
	v51 =	vld [tilespmem:s16+$0x0];
	v31 =	vadd.f32 v31, v55;
	v61 =	vmul.f32 v40, v56;
	[tilespmem:s26+$0x0] =	vst v33  }
0x120: {  	v26 =	vmul.f32 v44, v13;
	s14 =	sadd.s32 s23, s8;
	v28 =	vmul.f32 v32, v16;
	v44 =	vld [tilespmem:s29+$0x0]  }
0x121: {  	v54 =	vmul.f32 v24, v9;
	v48 =	vmul.f32 v36, v8;
	s0 =	sadd.s32 s28, s0;
	[tilespmem:s17+$0x0] =	vst v31;
	v62 =	vld [tilespmem:s14+$0x0];
	v34 =	vadd.f32 v61, v60  }
0x122: {  	v52 =	vmul.f32 v25, v16;
	v63 =	vmul.f32 v28, v10;
	s14 =	sadd.s32 s22, s25;
	v41 =	vadd.f32 v57, v43;
	v56 =	vld [tilespmem:s0+$0x0]  }
0x123: {  	s13 =	sadd.s32 s31, s25;
	v58 =	vmul.f32 v49, v8;
	v42 =	vmul.f32 v26, v9;
	v33 =	vsub.f32 v38, v48;
	v39 =	vld [tilespmem:s14+$0x0];
	[tilespmem:s3+$0x0] =	vst v34  }
0x124: {  	v31 =	vsub.f32 v38, v54;
	v32 =	vsub.f32 v38, v63;
	s25 =	sadd.s32 s28, s25;
	v38 =	vld [tilespmem:s13+$0x0];
	v41 =	vmul.f32 v41, v36;
	[dreg:$0xc] =	wrdreg s22  }
0x125: {  	s30 =	smov.u32 s16;
	s16 =	sadd.s32 s22, s8;
	v35 =	vsub.f32 v45, v58;
	v60 =	vmul.f32 v52, v10;
	v59 =	vadd.f32 v50, v51;
	v36 =	vld [tilespmem:s25+$0x0]  }
0x126: {  	s12 =	smov.u32 s28;
	v58 =	vmul.f32 v22, v13;
	v25 =	vsub.f32 v45, v42;
	s17 =	sadd.s32 s6, s15;
	v33 =	vadd.f32 v41, v33;
	v42 =	vld [tilespmem:s16+$0x0]  }
0x127: {  	s9 =	simm.s32 $0x18680;
	s26 =	sadd.s32 s28, s8;
	v57 =	vmul.f32 v27, v10;
	v23 =	vsub.f32 v23, v60;
	s22 =	sadd.s32 s18, s15;
	v63 =	vmul.f32 v59, v52;
	v40 =	vld [tilespmem:s17+$0x0];
	[tilespmem:s5+$0x0] =	vst v37  }
0x128: {  	s10 =	smov.u32 s17;
	s16 =	smov.u32 s31;
	s31 =	sadd.s32 s31, s8;
	v41 =	vld [tilespmem:s22+$0x0];
	v61 =	vadd.f32 v62, v44;
	v62 =	vmul.f32 v58, v9;
	v47 =	vadd.f32 v56, v47;
	[tilespmem:s4+$0x0] =	vst v33  }
0x129: {  	v43 =	vmul.f32 v15, v13;
	v34 =	vsub.f32 v45, v57;
	s18 =	simm.s32 $0x4;
	s15 =	simm.s32 $0x18280;
	v37 =	vadd.f32 v63, v23;
	v44 =	vld [tilespmem:s31+$0x0];
	[dreg:$0x7] =	wrdreg s19  }
0x12a: {  	s8 =	smov.u32 s22;
	s5 =	simm.s32 $0x400;
	v33 =	vsub.f32 v21, v62;
	v45 =	vmul.f32 v61, v58;
	v46 =	vmul.f32 v47, v49;
	[dreg:$0x8] =	wrdreg s20  }
.LBB2_6:
0x12b: {  	s0 =	rddreg [dreg:$0xb]  }
0x12c: {  	v23 =	vld [tilespmem:s9+$0x0];
	s3 =	sadd.s32 s0, s24;
	v45 =	vadd.f32 v45, v33  }
0x12d: {  	s22 =	sadd.s32 $0x40, s7;
	v33 =	vld [tilespmem:s15+$0x0];
	s31 =	sadd.s32 s0, s11;
	v35 =	vadd.f32 v46, v35;
	s0 =	sadd.s32 s23, s3  }
0x12e: {  	s17 =	sand.u32 $0x40, s22;
	s11 =	sadd.s32 s23, s31;
	[tilespmem:s29+$0x0] =	vst v45;
	v51 =	vld [tilespmem:s0+$0x0]  }
0x12f: {  	s4 =	sand.u32 $0x1C00, s5;
	s28 =	sand.u32 $0x380, s22;
	s23 =	sor.u32 $0x30, s17;
	[tilespmem:s1+$0x0] =	vst v35;
	v29 =	vadd.f32 v29, v40;
	v53 =	vld [tilespmem:s11+$0x0]  }
0x130: {  	[dreg:$0xf] =	wrdreg s25;
	s24 =	sadd.s32 s4, s20;
	s2 =	sor.u32 s28, s23;
	v30 =	vadd.f32 v30, v41;
	v54 =	vld [tilespmem:s26+$0x0]  }
0x131: {  	s7 =	rddreg [dreg:$0x7];
	s25 =	sadd.s32 s19, s24;
	s11 =	sadd.s32 s4, s21;
	v38 =	vadd.f32 v44, v38;
	v56 =	vld [tilespmem:s2+$0x18600];
	v29 =	vmul.f32 v29, v17  }
0x132: {  	v47 =	vmul.f32 v43, v9;
	s1 =	sadd.s32 s23, s25;
	v39 =	vadd.f32 v42, v39;
	s19 =	sadd.s32 s7, s11;
	v17 =	vmovc v28;
	v28 =	vld [tilespmem:s2+$0x18200];
	v30 =	vmul.f32 v30, v18  }
0x133: {  	v22 =	vmul.f32 v22, v16;
	s20 =	sor.u32 $0x10, s17;
	v18 =	vmovc v27;
	v27 =	vld [tilespmem:s1+$0x0];
	s29 =	sadd.s32 s23, s19;
	v24 =	vmul.f32 v38, v24;
	v29 =	vadd.f32 v29, v19  }
0x134: {  	[tilespmem:s30+$0x0] =	vst v37;
	v52 =	vsub.f32 v14, v47;
	s4 =	sor.u32 s28, s20;
	v39 =	vmul.f32 v39, v43;
	v55 =	vld [tilespmem:s29+$0x0];
	v30 =	vadd.f32 v30, v20  }
0x135: {  	s26 =	sadd.s32 s17, s25;
	s7 =	smov.u32 s21;
	s21 =	sor.u32 $0x20, s17;
	v20 =	vmov v34;
	v34 =	vld [tilespmem:s4+$0x18200];
	v24 =	vadd.f32 v24, v31;
	[tilespmem:s10+$0x0] =	vst v29  }
0x136: {  	v58 =	vld [tilespmem:s26+$0x0];
	s30 =	sor.u32 s28, s21;
	s28 =	sadd.s32 s20, s25;
	v39 =	vadd.f32 v39, v52;
	v31 =	vmul.f32 v22, v10;
	v36 =	vadd.f32 v54, v36;
	[tilespmem:s8+$0x0] =	vst v30  }
0x137: {  	s6 =	sadd.s32 s17, s19;
	v61 =	vld [tilespmem:s28+$0x0];
	v35 =	vadd.f32 v53, v51;
	s10 =	rddreg [dreg:$0xc];
	[tilespmem:s13+$0x0] =	vst v24;
	s13 =	sadd.s32 s16, s3;
	v57 =	vmul.f32 v28, v11  }
0x138: {  	s29 =	sadd.s32 s21, s25;
	[tilespmem:s14+$0x0] =	vst v39;
	s14 =	sadd.s32 s20, s19;
	v21 =	vsub.f32 v21, v31;
	v30 =	vld [tilespmem:s30+$0x18200];
	[dreg:$0xe] =	wrdreg s13;
	v26 =	vmul.f32 v36, v26  }
0x139: {  	s25 =	sadd.s32 s10, s3;
	s3 =	sadd.s32 s12, s3;
	v24 =	vmul.f32 v35, v22;
	v22 =	vmovc v28;
	v28 =	vld [tilespmem:s6+$0x0];
	s6 =	rddreg [dreg:$0x9];
	v27 =	vadd.f32 v55, v27;
	v59 =	vmul.f32 v57, v7  }
0x13a: {  	v19 =	vmovc v32;
	v29 =	vmul.f32 v33, v11;
	s2 =	sadd.s32 s10, s31;
	v62 =	vld [tilespmem:s14+$0x0];
	[dreg:$0xd] =	wrdreg s3;
	v32 =	vmul.f32 v34, v11;
	v25 =	vadd.f32 v26, v25  }
0x13b: {  	v53 =	vld [tilespmem:s29+$0x0];
	s13 =	sadd.s32 s16, s31;
	s3 =	sadd.s32 s12, s31;
	s31 =	rddreg [dreg:$0xf];
	v40 =	vmul.f32 v34, v12;
	v27 =	vmul.f32 v27, v57;
	v26 =	vsub.f32 v56, v59  }
0x13c: {  	s19 =	sadd.s32 s21, s19;
	v44 =	vld [tilespmem:s4+$0x18600];
	v31 =	vmul.f32 v29, v7;
	s12 =	sadd.s32 s6, s24;
	v60 =	vadd.f32 v24, v21;
	v24 =	vmul.f32 v34, v13;
	[tilespmem:s31+$0x0] =	vst v25  }
0x13d: {  	s8 =	smov.u32 s17;
	s17 =	smov.u32 s21;
	s4 =	sadd.s32 s23, s12;
	v21 =	vmovc v56;
	v63 =	vmul.f32 v32, v7;
	v25 =	vmul.f32 v40, v8;
	v54 =	vld [tilespmem:s19+$0x0];
	v27 =	vadd.f32 v27, v26  }
0x13e: {  	s21 =	smov.u32 s7;
	s7 =	smov.u32 s22;
	s22 =	sadd.s32 s6, s11;
	[tilespmem:s0+$0x0] =	vst v60;
	v56 =	vmul.f32 v24, v9;
	v52 =	vmul.f32 v30, v11;
	v28 =	vadd.f32 v28, v58;
	v58 =	vld [tilespmem:s4+$0x0]  }
0x13f: {  	s16 =	sadd.s32 s23, s22;
	v37 =	vmul.f32 v30, v12;
	v39 =	vadd.f32 v62, v61;
	v60 =	vld [tilespmem:s30+$0x18600];
	v62 =	vmul.f32 v22, v12;
	[tilespmem:s1+$0x0] =	vst v27  }
0x140: {  	s10 =	smov.u32 s20;
	v31 =	vsub.f32 v23, v31;
	s31 =	sadd.s32 s8, s12;
	v26 =	vmul.f32 v30, v13;
	v29 =	vmul.f32 v28, v29;
	v48 =	vld [tilespmem:s16+$0x0]  }
0x141: {  	s0 =	sadd.s32 s10, s12;
	v49 =	vld [tilespmem:s31+$0x0];
	v36 =	vsub.f32 v44, v63;
	v43 =	vsub.f32 v44, v25;
	v55 =	vmul.f32 v52, v7  }
0x142: {  	s1 =	sadd.s32 s17, s12;
	v27 =	vmul.f32 v30, v16;
	v30 =	vmul.f32 v39, v32;
	v39 =	vld [tilespmem:s0+$0x0];
	v29 =	vadd.f32 v29, v31  }
0x143: {  	v57 =	vmul.f32 v37, v8;
	v28 =	vmul.f32 v34, v16;
	v50 =	vld [tilespmem:s1+$0x0];
	v61 =	vadd.f32 v54, v53  }
0x144: {  	s14 =	sadd.s32 s8, s22;
	v59 =	vmul.f32 v26, v9;
	v25 =	vadd.f32 v30, v36;
	v30 =	vmul.f32 v62, v8;
	[tilespmem:s26+$0x0] =	vst v29;
	v29 =	vld [tilespmem:s13+$0x0]  }
0x145: {  	v54 =	vsub.f32 v60, v55;
	v38 =	vmul.f32 v61, v52;
	v51 =	vld [tilespmem:s14+$0x0];
	v53 =	vadd.f32 v48, v58  }
0x146: {  	s20 =	sadd.s32 s10, s22;
	v31 =	vsub.f32 v44, v56;
	v63 =	vmul.f32 v28, v10;
	[tilespmem:s28+$0x0] =	vst v25;
	v56 =	vsub.f32 v21, v30;
	v30 =	vld [tilespmem:s3+$0x0]  }
0x147: {  	s19 =	rddreg [dreg:$0xa];
	v35 =	vsub.f32 v60, v57;
	v58 =	vld [tilespmem:s20+$0x0];
	v36 =	vadd.f32 v38, v54;
	v42 =	vmul.f32 v53, v62  }
0x148: {  	v55 =	vmul.f32 v27, v10;
	v57 =	vmul.f32 v33, v12;
	v32 =	vsub.f32 v44, v63;
	s26 =	sadd.s32 s19, s24;
	v41 =	vld [tilespmem:s2+$0x0]  }
0x149: {  	v25 =	vsub.f32 v60, v59;
	[tilespmem:s29+$0x0] =	vst v36;
	s29 =	sadd.s32 s23, s26;
	v62 =	vld [tilespmem:s25+$0x0];
	v59 =	vadd.f32 v42, v56  }
0x14a: {  	[dreg:$0xc] =	wrdreg s8;
	s22 =	sadd.s32 s17, s22;
	v34 =	vsub.f32 v60, v55;
	v60 =	vmul.f32 v57, v8;
	s28 =	sadd.s32 s19, s11;
	v61 =	vadd.f32 v51, v49;
	v63 =	vld [tilespmem:s29+$0x0]  }
0x14b: {  	s14 =	sadd.s32 s8, s26;
	s6 =	sadd.s32 s8, s28;
	s8 =	sadd.s32 s23, s28;
	v56 =	vld [tilespmem:s22+$0x0];
	[tilespmem:s4+$0x0] =	vst v59  }
0x14c: {  	s13 =	sadd.s32 s10, s26;
	v52 =	vsub.f32 v23, v60;
	v53 =	vmul.f32 v61, v57;
	v55 =	vadd.f32 v58, v39;
	v54 =	vld [tilespmem:s8+$0x0]  }
0x14d: {  	s18 =	sadd.s32 $0x4, s18;
	s30 =	smov.u32 s25;
	v38 =	vld [tilespmem:s13+$0x0];
	s25 =	sadd.s32 s17, s26;
	v57 =	vmul.f32 v15, v16  }
0x14e: {  	p0 =	slt.u32 s18, $0x3C;
	s19 =	sadd.s32 s10, s28;
	v36 =	vld [tilespmem:s25+$0x0];
	v59 =	vmul.f32 v22, v13;
	v42 =	vadd.f32 v53, v52;
	v58 =	vmul.f32 v55, v40  }
.Ltmp1:
0x14f: {  	s26 =	sadd.s32 s17, s28;
	s28 =	rddreg [dreg:$0xe];
	v39 =	vld [tilespmem:s14+$0x0];
	v15 =	vmov v33;
	v60 =	vadd.f32 v41, v62;
	v61 =	vmul.f32 v57, v10;
	(pc) =	sbr.rel @p0 .LBB2_6-.Ltmp1, $4  }
0x150: {  	s5 =	sadd.s32 $0x200, s5;
	v40 =	vld [tilespmem:s28+$0x0];
	v62 =	vmul.f32 v59, v9;
	[tilespmem:s31+$0x0] =	vst v42;
	v33 =	vadd.f32 v58, v43;
	v47 =	vadd.f32 v56, v50  }
0x151: {  	s9 =	sadd.s32 $0x40, s9;
	s15 =	sadd.s32 $0x40, s15;
	v48 =	vmul.f32 v60, v57;
	s31 =	rddreg [dreg:$0xd];
	v42 =	vld [tilespmem:s6+$0x0];
	v44 =	vadd.f32 v54, v63;
	v63 =	vsub.f32 v14, v61  }
0x152: {  	s12 =	smov.u32 s17;
	s16 =	smov.u32 s10;
	s20 =	rddreg [dreg:$0x8];
	v43 =	vmul.f32 v15, v13;
	v41 =	vld [tilespmem:s31+$0x0];
	[tilespmem:s0+$0x0] =	vst v33;
	v33 =	vsub.f32 v21, v62  }
0x153: {  	s10 =	smov.u32 s28;
	s8 =	smov.u32 s31;
	v46 =	vmul.f32 v47, v37;
	v14 =	vmovc v23;
	v45 =	vmul.f32 v44, v59;
	v44 =	vld [tilespmem:s19+$0x0];
	s19 =	rddreg [dreg:$0x7];
	v37 =	vadd.f32 v48, v63  }
0x154: {  	_ = 	snop  }
0x155: {  	v7 =	vadd.f32 v46, v35;
	_ =	sdelay $0x1  }
0x156: {  	[tilespmem:s1+$0x0] =	vst v7  }
0x157: {  	v7 =	vld [tilespmem:s26+$0x0];
	_ =	sdelay $0x2  }
0x158: {  	v9 =	vmul.f32 v43, v9;
	v12 =	vadd.f32 v42, v39  }
0x159: {  	v8 =	vadd.f32 v44, v38  }
0x15a: {  	v9 =	vsub.f32 v14, v9;
	v53 =	vmul.f32 v12, v43;
	v7 =	vadd.f32 v7, v36  }
0x15b: {  	v11 =	vadd.f32 v45, v33;
	v8 =	vmul.f32 v8, v24  }
0x15c: {  	v9 =	vadd.f32 v53, v9;
	v7 =	vmul.f32 v7, v26  }
0x15d: {  	s1 =	rddreg [dreg:$0xb];
	[tilespmem:s29+$0x0] =	vst v11;
	v8 =	vadd.f32 v8, v31  }
0x15e: {  	[tilespmem:s14+$0x0] =	vst v9;
	v7 =	vadd.f32 v7, v25  }
0x15f: {  	s0 =	sadd.s32 s1, s24;
	[tilespmem:s13+$0x0] =	vst v8  }
0x160: {  	s1 =	sadd.s32 s1, s11;
	s2 =	sadd.s32 s23, s0;
	[tilespmem:s25+$0x0] =	vst v7  }
0x161: {  	s3 =	sadd.s32 s23, s1;
	v54 =	vld [tilespmem:s2+$0x0];
	s29 =	rddreg [dreg:$0xc]  }
0x162: {  	s28 =	sadd.s32 s16, s1;
	s4 =	sadd.s32 s12, s1;
	v13 =	vld [tilespmem:s3+$0x0];
	s1 =	sadd.s32 s29, s1  }
0x163: {  	s3 =	sadd.s32 s29, s0;
	v9 =	vld [tilespmem:s1+$0x0]  }
0x164: {  	v23 =	vld [tilespmem:s3+$0x0];
	_ =	sdelay $0x1  }
0x165: {  	v58 =	vmul.f32 v22, v16;
	v55 =	vadd.f32 v29, v40  }
0x166: {  	v15 =	vmul.f32 v15, v16;
	v56 =	vadd.f32 v30, v41  }
0x167: {  	v60 =	vmul.f32 v58, v10;
	v11 =	vmul.f32 v55, v17;
	v12 =	vadd.f32 v13, v54  }
0x168: {  	v62 =	vmul.f32 v15, v10;
	v18 =	vmul.f32 v56, v18;
	v9 =	vadd.f32 v9, v23  }
0x169: {  	v16 =	vsub.f32 v21, v60;
	s31 =	sadd.s32 s16, s0;
	v11 =	vadd.f32 v11, v19;
	v12 =	vmul.f32 v12, v58  }
0x16a: {  	v10 =	vsub.f32 v14, v62;
	v61 =	vadd.f32 v18, v20;
	v57 =	vld [tilespmem:s31+$0x0];
	[tilespmem:s30+$0x0] =	vst v37;
	v9 =	vmul.f32 v9, v15  }
0x16b: {  	v7 =	vld [tilespmem:s28+$0x0];
	[tilespmem:s10+$0x0] =	vst v11;
	v63 =	vadd.f32 v12, v16  }
0x16c: {  	v8 =	vld [tilespmem:s4+$0x0];
	[tilespmem:s8+$0x0] =	vst v61;
	s0 =	sadd.s32 s12, s0;
	v9 =	vadd.f32 v9, v10  }
0x16d: {  	v59 =	vld [tilespmem:s0+$0x0];
	[tilespmem:s2+$0x0] =	vst v63  }
0x16e: {  	[tilespmem:s3+$0x0] =	vst v9  }
0x16f: {  	s3 =	sld [smem:$0x7FC];
	_ =	sdelay $0x1  }
0x170: {  	v7 =	vadd.f32 v7, v57  }
0x171: {  	v8 =	vadd.f32 v8, v59;
	s3 =	sadd.s32 $0x1, s3  }
0x172: {  	v7 =	vmul.f32 v7, v28;
	p0 =	sne.s32 s3, $0x4  }
.Ltmp2:
0x173: {  	v8 =	vmul.f32 v8, v27;
	(pc) =	sbr.rel @p0 .LBB2_3-.Ltmp2, $4  }
0x174: {  	v7 =	vadd.f32 v7, v32  }
0x175: {  	v8 =	vadd.f32 v8, v34  }
0x176: {  	[tilespmem:s31+$0x0] =	vst v7  }
0x177: {  	[tilespmem:s0+$0x0] =	vst v8  }
0x178: {  	s3 =	rddreg [dreg:$0x1d];
	_ =	strace $0x9000004A  }
0x179: {  	s1 =	rddreg [dreg:$0x1e]  }
0x17a: {  	s31 =	simm.s32 $0x0;
	s0 =	sshll.u32 s3, $0x13;
	s2 =	rddreg [dreg:$0x19]  }
0x17b: {  	s30 =	rddreg [dreg:$0x1f];
	s1 =	sshll.u32 s1, $0xB;
	s0 =	sadd.s32 s0, s2  }
0x17c: {  	s3 =	sadd.s32 $0x5, s3;
	s2 =	sor.u32 $0x200, s30;
	s0 =	sadd.s32 s1, s0  }
0x17d: {  	[hbm4b:s0+s31] =	stream.linear.scatter [tilespmem:s2], [sflag:s3], $0x4000, $0x38;
	[tilespmem:$0x18A00] =	vst v63  }
0x17e: {  	s2 =	rddreg [dreg:$0x1c]  }
0x17f: {  	s8 =	sadd.s32 $0x1, s2  }
0x180: {  	p0 =	seq.s32 s2, $0x1F;
	s1 =	sand.u32 $0x3, s8  }
0x181: {  	p1 =	seq.s32 s2, $0x0;
	p2 =	sne.s32 @!p0 s1, $0x0  }
0x182: {  	s1 =	sadd.s32 @!p1 $0xFFFFFFFF, s2;
	p3 =	por p2, p0  }
0x183: {  	s1 =	sand.u32 @!p1 $0x3, s1;
	p3 =	sgt.u32 @!p3 s2, $0x1A  }
0x184: {  	_ =	strace $0x8000004B;
	s1 =	sadd.s32 @!p1 $0x5, s1;
	p2 =	por @!p0 p3, p2  }
0x185: {  	_ =	swait.ge @!p1 [sflag:s1], $0x4000;
	p0 =	por p2, p0  }
0x186: {  	[sflag:s1] =	ssyncset.done @!p1 $0x0;
	s2 =	sshrl.u32 @!p0 s8, $0x2  }
0x187: {  	[sflag:s1] =	ssyncadd.s32 @!p1 $0xFFFFC000;
	s1 =	sadd.s32 @!p0 $0x1, s2  }
0x188: {  	_ =	strace $0x9000004B;
	s2 =	sand.u32 @!p0 $0x1, s1;
	s1 =	sshll.u32 @!p0 s1, $0xB  }
0x189: {  	s4 =	rddreg [dreg:$0x13];
	s3 =	sadd.s32 @!p0 $0x9, s2;
	s2 =	sshll.u32 @!p0 s2, $0xE  }
0x18a: {  	s1 =	sadd.s32 @!p0 s1, s4;
	s4 =	simm.s32 @!p0 $0x0;
	s2 =	sor.u32 @!p0 $0x10200, s2  }
0x18b: {  	[tilespmem:s2], [sflag:s3] =	stream.linear.gather @!p0 [hbm4b:s1+s4], $0x4000, $0x38;
	[tilespmem:$0x18A00] =	vst v63  }
0x18c: {  	p0 =	sne.s32 s8, $0x20  }
.Ltmp3:
0x18d: {  	_ = 	snop;
	(pc) =	sbr.rel @p0 .LBB2_2-.Ltmp3, $1  }
0x18e: {  	_ =	sdelay $0x3  }
0x18f: {  	s1 =	simm.s32 $0x8  }
0x190: {  	_ =	swait.ge [sflag:s1], $0x4000  }
0x191: {  	s2 =	rddreg [dreg:$0x1b]  }
0x192: {  	s0 =	rddreg [dreg:$0x1a];
	s2 =	sadd.s32 $0x1, s2  }
0x193: {  	p0 =	sne.s32 s2, s0  }
.Ltmp4:
0x194: {  	_ = 	snop;
	(pc) =	sbr.rel @p0 .LBB2_1-.Ltmp4, $3  }
0x195: {  	_ =	sdelay $0x1  }
0x196: {  	[sflag:s1] =	ssyncset.done $0x0  }
0x197: {  	[sflag:s1] =	ssyncadd.s32 $0xFFFFC000  }
0x198: {  	_ =	sfence.sel $0x180000  }
0x199: {  	[bflag:$0x0] =	sbarrier.arrive $0xFFFF  }
0x19a: {  	_ =	strace $0x90000047  }
0x19b: {  	s0 =	stileid.u32;
	[bflag:$0x2] =	sbarrier.arrive $0xFFFF  }
0x19c: {  	p0 =	sne.s32 s0, $0x0;
	s0 =	rddreg [dreg:$0x6]  }
0x19d: {  	s0 =	sadd.s32 @!p0 $0x100000, s0  }
0x19e: {  	[sflag:s0] =	ssyncadd.tile.s32 @!p0 $0x1;
	_ =	shalt  }
.Lfunc_end2:
_tile_overlayer_lowered:
.L_overlay_start_2:
0x19f: {  	(tag) =	ssettag $0x2  }
0x1a0: {  	s0 =	rddreg [dreg:$0x0];
	s2 =	stileid.u32  }
0x1a1: {  	s1 =	rddreg [dreg:$0x1];
	p0 =	sne.s32 s2, $0x0  }
0x1a2: {  	s3 =	rddreg [dreg:$0x2];
	[bflag:$0x3] =	sbarrier.arrive $0xFFFF;
	s2 =	simm.s32 @!p0 $0x1C0B  }
0x1a3: {  	[timem:s3], [sflag:s2] =	dma.local @!p0 [hbm:s0], s1  }
0x1a4: {  	s0 =	simm.s32 @!p0 $0xB  }
0x1a5: {  	_ =	swait.ge @!p0 [sflag:s0], s1  }
0x1a6: {  	s1 =	ssub.s32 @!p0 $0x0, s1;
	[sflag:s0] =	ssyncset.done @!p0 $0x0  }
0x1a7: {  	[sflag:s0] =	ssyncadd.s32 @!p0 s1  }
0x1a8: {  	[bflag:$0x3] =	sbarrier.arrive $0xFFFF  }
0x1a9: {  	_ =	shalt  }

</sc_bundles>
